<compile_context>
chip_gen: v7x
topology: tpu7x:2x2x1
jax: 0.10.2.dev20260603
libtpu: 0.0.44.dev20260713+nightly
codegen_flags: <defaults>
</compile_context>

<pallas_src>
import functools

import jax
import jax.numpy as jnp
from jax import lax
from jax.experimental import pallas as pl
from jax.experimental.pallas import tpu as pltpu
from jax.experimental.pallas import tpu_sc as plsc

B, S, D, K = 4, 2048, 256, 16
BS = B * S
BSK = BS * K

RB = 256


def _topk_body(boff, fall_ref, fblk_ref, idx_ref):
    b = pl.program_id(0) + boff
    fall = fall_ref[0]
    fblk = fblk_ref[0]
    colsq = jnp.sum(fall * fall, axis=1, keepdims=True)
    e = lax.dot_general(fblk.astype(jnp.bfloat16), fall.astype(jnp.bfloat16),
                        (((1,), (1,)), ((), ())),
                        preferred_element_type=jnp.float32)
    d = -2.0 * e + jnp.transpose(colsq)
    iota = lax.broadcasted_iota(jnp.int32, (RB, S), 1)
    big_i = jnp.int32(S)
    i = pl.program_id(1)
    rr = lax.broadcasted_iota(jnp.int32, (RB, 1), 0) + i * RB
    picks = [rr]
    d = jnp.where(iota == rr, jnp.inf, d)
    for _ in range(K - 1):
        m = jnp.min(d, axis=1, keepdims=True)
        eqm = d == m
        amin = jnp.min(jnp.where(eqm, iota, big_i), axis=1, keepdims=True)
        picks.append(amin)
        d = jnp.where(eqm, jnp.inf, d)
    idx = jnp.concatenate(picks, axis=1)
    idx_ref[0] = idx + b * S


def _topk(features, boff):
    nb = features.shape[0]
    return pl.pallas_call(
        functools.partial(_topk_body, boff),
        grid=(nb, S // RB),
        in_specs=[
            pl.BlockSpec((1, S, D), lambda b, i: (b, 0, 0)),
            pl.BlockSpec((1, RB, D), lambda b, i: (b, i, 0)),
        ],
        out_specs=pl.BlockSpec((1, RB, K), lambda b, i: (b, i, 0)),
        out_shape=jax.ShapeDtypeStruct((nb, S, K), jnp.int32),
    )(features, features)


RM = 512
H = D // 2


def _pack_bf16_pair(x):
    bits = lax.bitcast_convert_type(
        x.astype(jnp.bfloat16).astype(jnp.float32), jnp.uint32)
    lo = bits[:, :H] >> jnp.uint32(16)
    hi = bits[:, H:] & jnp.uint32(0xFFFF0000)
    return hi | lo


def _unpack_bf16_pair(w):
    lo = lax.bitcast_convert_type(w << jnp.uint32(16), jnp.float32)
    hi = lax.bitcast_convert_type(w & jnp.uint32(0xFFFF0000), jnp.float32)
    return jnp.concatenate([lo, hi], axis=1)


def _proj_body(f_ref, w1_ref, b1_ref, wq_ref, wk_ref, wv_ref, wg1_ref, bg1_ref,
               qgb_ref, tab_ref):
    f = f_ref[...]
    h = jnp.dot(f, w1_ref[...], preferred_element_type=jnp.float32) + b1_ref[...]
    wg1 = wg1_ref[...]
    q = jnp.dot(h, wq_ref[...], preferred_element_type=jnp.float32)
    qgb_ref[...] = (jnp.dot(q, wg1, preferred_element_type=jnp.float32)
                    + bg1_ref[...])
    hk = jnp.dot(h, wk_ref[...], preferred_element_type=jnp.float32)
    kg = jnp.dot(hk, wg1, preferred_element_type=jnp.float32)
    hv = jnp.dot(h, wv_ref[...], preferred_element_type=jnp.float32)
    tab_ref[:, :H] = _pack_bf16_pair(kg)
    tab_ref[:, H:] = _pack_bf16_pair(hv)


def _proj(f2, w1, b1, wq, wk, wv, wg1, bg1):
    wspec = pl.BlockSpec((D, D), lambda i: (0, 0))
    bspec = pl.BlockSpec((1, D), lambda i: (0, 0))
    return pl.pallas_call(
        _proj_body,
        grid=(BS // RM,),
        in_specs=[pl.BlockSpec((RM, D), lambda i: (i, 0)),
                  wspec, bspec, wspec, wspec, wspec, wspec, bspec],
        out_specs=[pl.BlockSpec((RM, D), lambda i: (i, 0)),
                   pl.BlockSpec((RM, D), lambda i: (i, 0))],
        out_shape=[jax.ShapeDtypeStruct((BS, D), jnp.float32),
                   jax.ShapeDtypeStruct((BS, D), jnp.uint32)],
    )(f2, w1, b1, wq, wk, wv, wg1, bg1)


_NW = 32
_C = 64


def _sc_gather(idxf, table):
    n = idxf.shape[0]
    bw = n // _NW
    nch = bw // _C
    mesh = plsc.VectorSubcoreMesh(core_axis_name="c", subcore_axis_name="s")

    @functools.partial(
        pl.kernel,
        out_type=jax.ShapeDtypeStruct((n, D), jnp.uint32),
        mesh=mesh,
        scratch_types=[
            pltpu.VMEM((_C,), jnp.int32),
            pltpu.VMEM((_C, D), jnp.uint32),
            pltpu.SemaphoreType.DMA,
        ],
    )
    def gk(idx_hbm, table_hbm, out_hbm, idx_v, rows_v, sem):
        wid = lax.axis_index("s") * 2 + lax.axis_index("c")

        def chunk(i, carry):
            base = wid * bw + i * _C
            pltpu.sync_copy(idx_hbm.at[pl.ds(base, _C)], idx_v)
            pltpu.async_copy(table_hbm.at[idx_v], rows_v, sem).wait()
            pltpu.sync_copy(rows_v, out_hbm.at[pl.ds(base, _C)])
            return carry

        lax.fori_loop(0, nch, chunk, 0)

    return gk(idxf, table)


RA = 128


def _attn_body(qgb_ref, gath_ref, f_ref, wg2_ref, bg2_ref, w2_ref, b2_ref,
               out_ref):
    qg = qgb_ref[...]
    kg = _unpack_bf16_pair(gath_ref[:, :H]).reshape(RA, K, D)
    hv = _unpack_bf16_pair(gath_ref[:, H:]).reshape(RA, K, D)
    z = qg[:, None, :] - kg
    a = jnp.maximum(z, 0.0).reshape(RA * K, D).astype(jnp.bfloat16)
    g2 = (jnp.dot(a, wg2_ref[...], preferred_element_type=jnp.float32)
          + bg2_ref[...]).reshape(RA, K, D)
    e = jnp.exp(g2 * (1.0 / 16.0))
    att = e / jnp.sum(e, axis=1, keepdims=True)
    o = jnp.sum(att * hv, axis=1).astype(jnp.bfloat16)
    out_ref[...] = (jnp.dot(o, w2_ref[...], preferred_element_type=jnp.float32)
                    + b2_ref[...] + f_ref[...])


def _attn(qgb, gath, f2, wg2, bg2, w2, b2):
    nr = qgb.shape[0]
    wspec = pl.BlockSpec((D, D), lambda i: (0, 0))
    bspec = pl.BlockSpec((1, D), lambda i: (0, 0))
    return pl.pallas_call(
        _attn_body,
        grid=(nr // RA,),
        in_specs=[pl.BlockSpec((RA, D), lambda i: (i, 0)),
                  pl.BlockSpec((RA * K, D), lambda i: (i, 0)),
                  pl.BlockSpec((RA, D), lambda i: (i, 0)),
                  wspec, bspec, wspec, bspec],
        out_specs=pl.BlockSpec((RA, D), lambda i: (i, 0)),
        out_shape=jax.ShapeDtypeStruct((nr, D), jnp.float32),
    )(qgb, gath, f2, wg2, bg2, w2, b2)


def kernel(x, W1, b1, W2, b2, Wg1, bg1, Wg2, bg2, Wq, Wk, Wv):
    pos = x[:, :, :3]
    feats = x[:, :, 3:]
    f2 = feats.reshape(BS, D)
    qgb, table = _proj(f2, W1, b1.reshape(1, D), Wq, Wk, Wv, Wg1,
                       bg1.reshape(1, D))
    wg2b, w2b = Wg2.astype(jnp.bfloat16), W2.astype(jnp.bfloat16)
    bg2r, b2r = bg2.reshape(1, D), b2.reshape(1, D)
    nc = 2
    bc = B // nc
    rows = bc * S
    gaths = []
    for c in range(nc):
        gidx = _topk(feats[c * bc:(c + 1) * bc], c * bc)
        gaths.append(_sc_gather(gidx.reshape(rows * K), table))
    res_chunks = []
    for c in range(nc):
        lo = c * rows
        res_chunks.append(_attn(qgb[lo:lo + rows], gaths[c],
                                f2[lo:lo + rows], wg2b, bg2r, w2b, b2r))
    res = jnp.concatenate(res_chunks, axis=0)
    return (pos, res.reshape(B, S, D))

# --- scband reference (transcript-rebuilt; emitter-appended) ---
"""Pipeline reference for scband-transformer-block-15857019257410 (READ-ONLY COPY).

The authoritative reference and input builder live on the scoring server;
editing this copy changes nothing except your own understanding.
"""

import jax, jax.numpy as jnp
import numpy as np

B, S, PD, TD, K = 4, 2048, 256, 256, 16

def _init(key, shape, fan_in):
    return jax.random.uniform(key, shape, jnp.float32, -1.0, 1.0) / np.sqrt(fan_in)

def setup_inputs(seed: int = 0) -> dict:
    key = jax.random.key(seed)
    ks = jax.random.split(key, 16)
    x = jax.random.normal(ks[0], (B, S, 3 + PD), dtype=jnp.float32)
    return {
        'x': x,
        'W1': _init(ks[1], (PD, TD), PD), 'b1': _init(ks[2], (TD,), PD),
        'W2': _init(ks[3], (TD, PD), TD), 'b2': _init(ks[4], (PD,), TD),
        'Wg1': _init(ks[5], (TD, TD), TD), 'bg1': _init(ks[6], (TD,), TD),
        'Wg2': _init(ks[7], (TD, TD), TD), 'bg2': _init(ks[8], (TD,), TD),
        'Wq': _init(ks[9], (TD, TD), TD),
        'Wk': _init(ks[10], (TD, TD), TD),
        'Wv': _init(ks[11], (TD, TD), TD),
    }

def _square_distance(src, dst):
    # [B, N, M] pairwise squared euclidean distance
    d = -2.0 * jnp.einsum('bnd,bmd->bnm', src, dst)
    d = d + jnp.sum(src ** 2, axis=-1)[:, :, None]
    d = d + jnp.sum(dst ** 2, axis=-1)[:, None, :]
    return d

def _index_points(points, idx):
    # points: [B, S, C], idx: [B, S, K] -> [B, S, K, C]
    b_idx = jnp.arange(points.shape[0])[:, None, None]
    return points[b_idx, idx, :]

def reference(x, W1, b1, W2, b2, Wg1, bg1, Wg2, bg2, Wq, Wk, Wv):
    pos = x[:, :, :3]
    features = x[:, :, 3:]
    dists = _square_distance(features, features)
    idx = jnp.argsort(dists, axis=-1)[:, :, :K]
    pre = features
    h = features @ W1 + b1
    q = h @ Wq
    k_ = _index_points(h @ Wk, idx)
    v = _index_points(h @ Wv, idx)
    relation = q[:, :, None, :] - k_
    g = jax.nn.relu(relation @ Wg1 + bg1) @ Wg2 + bg2
    attn = jax.nn.softmax(g / jnp.sqrt(jnp.float32(k_.shape[-1])), axis=-2)
    res = jnp.einsum('bmnf,bmnf->bmf', attn, v)
    res = res @ W2 + b2 + pre
    return (pos, res)

if __name__ == "__main__":
    import jax
    _d = setup_inputs()
    print(jax.jit(kernel)(*tuple(_d.values())))

</pallas_src>

<mosaic_0001>
#map = affine_map<(d0, d1) -> (0)>
#map1 = affine_map<(d0, d1) -> (0, 0)>
module attributes {stable_mosaic.version = 14 : i64} {
  func.func @gk(%arg0: i32, %arg1: i32, %arg2: memref<65536xi32, #tpu.memory_space<hbm>>, %arg3: memref<8192x256xi32, #tpu.memory_space<hbm>>, %arg4: memref<65536x256xi32, #tpu.memory_space<hbm>>, %arg5: memref<64xi32, #tpu.memory_space<vmem>>, %arg6: memref<64x256xi32, #tpu.memory_space<vmem>>, %arg7: memref<!tpu.dma_semaphore, #tpu.memory_space<semaphore_mem>>) attributes {dimension_semantics = [#tpu.dimension_semantics<core_parallel>, #tpu.dimension_semantics<subcore_parallel>], iteration_bounds = array<i64: 2, 16>, scalar_prefetch = 0 : i64, scratch_operands = 3 : i64, tpu.core_type = #tpu.core_type<sc_vector_subcore>, window_params = [{transform_indices = #map}, {transform_indices = #map1}, {transform_indices = #map1}]} {
    %mul3A = arith.constant 2 : i32
    %mul3A_0 = arith.muli %arg1, %mul3A : i32
    %add3A = arith.addi %mul3A_0, %arg0 : i32
    %scan3A = arith.constant 0 : i32
    %scan3A_1 = arith.constant 0 : i32
    %scan3A_2 = arith.constant 32 : i32
    %scan3A_3 = arith.addi %scan3A_1, %scan3A_2 : i32
    %scan3A_4 = arith.constant 1 : i32
    scf.for %scan3A_6 = %scan3A_1 to %scan3A_3 step %scan3A_4  : i32 {
      %mul3A_7 = arith.constant 2048 : i32
      %mul3A_8 = arith.muli %add3A, %mul3A_7 : i32
      %mul3A_9 = arith.constant 64 : i32
      %mul3A_10 = arith.muli %scan3A_6, %mul3A_9 : i32
      %add3A_11 = arith.addi %mul3A_8, %mul3A_10 : i32
      "tpu.region"() ({
        %run_scoped3A = tpu.sem_alloc : memref<!tpu.dma_semaphore, #tpu.memory_space<semaphore_mem>>
        %dma_start3A_16 = tpu.memref_slice %arg2[%add3A_11] : memref<65536xi32, #tpu.memory_space<hbm>> -> memref<64xi32, #tpu.memory_space<hbm>>
        %dma_start3A_17 = tpu.memref_slice %arg2[%add3A_11] : memref<65536xi32, #tpu.memory_space<hbm>> -> memref<64xi32, #tpu.memory_space<hbm>>
        tpu.enqueue_dma source(%dma_start3A_17 : memref<64xi32, #tpu.memory_space<hbm>>) target(%arg5 : memref<64xi32, #tpu.memory_space<vmem>>) target_semaphore(%run_scoped3A : memref<!tpu.dma_semaphore, #tpu.memory_space<semaphore_mem>>)
        %dma_wait3A_18 = tpu.memref_slice %arg2[%add3A_11] : memref<65536xi32, #tpu.memory_space<hbm>> -> memref<64xi32, #tpu.memory_space<hbm>>
        %dma_wait3A_19 = tpu.memref_slice %arg2[%add3A_11] : memref<65536xi32, #tpu.memory_space<hbm>> -> memref<64xi32, #tpu.memory_space<hbm>>
        tpu.wait_dma2 semaphore(%run_scoped3A : memref<!tpu.dma_semaphore, #tpu.memory_space<semaphore_mem>>) src(%dma_wait3A_19 : memref<64xi32, #tpu.memory_space<hbm>>) dst(%arg5 : memref<64xi32, #tpu.memory_space<vmem>>)
        tpu.yield
      }) : () -> ()
      %dma_start3A = arith.constant 0 : i32
      %dma_start3A_12 = arith.constant 0 : i32
      %dma_start3A_13 = tpu.memref_slice %arg3[%dma_start3A, %dma_start3A_12] : memref<8192x256xi32, #tpu.memory_space<hbm>> -> memref<8192x256xi32, #tpu.memory_space<hbm>>
      tpu.enqueue_indirect_dma source(%dma_start3A_13 : memref<8192x256xi32, #tpu.memory_space<hbm>>) target(%arg6 : memref<64x256xi32, #tpu.memory_space<vmem>>) offsets(%arg5 : memref<64xi32, #tpu.memory_space<vmem>>) semaphore(%arg7 : memref<!tpu.dma_semaphore, #tpu.memory_space<semaphore_mem>>)
      %dma_wait3A = arith.constant 0 : i32
      %dma_wait3A_14 = arith.constant 0 : i32
      %dma_wait3A_15 = tpu.memref_slice %arg3[%dma_wait3A, %dma_wait3A_14] : memref<8192x256xi32, #tpu.memory_space<hbm>> -> memref<8192x256xi32, #tpu.memory_space<hbm>>
      tpu.wait_indirect_dma semaphore(%arg7 : memref<!tpu.dma_semaphore, #tpu.memory_space<semaphore_mem>>) src(%dma_wait3A_15 : memref<8192x256xi32, #tpu.memory_space<hbm>>) dst(%arg6 : memref<64x256xi32, #tpu.memory_space<vmem>>)
      "tpu.region"() ({
        %run_scoped3A = tpu.sem_alloc : memref<!tpu.dma_semaphore, #tpu.memory_space<semaphore_mem>>
        %dma_start3A_16 = arith.constant 0 : i32
        %dma_start3A_17 = tpu.memref_slice %arg4[%add3A_11, %dma_start3A_16] : memref<65536x256xi32, #tpu.memory_space<hbm>> -> memref<64x256xi32, #tpu.memory_space<hbm>>
        %dma_start3A_18 = arith.constant 0 : i32
        %dma_start3A_19 = tpu.memref_slice %arg4[%add3A_11, %dma_start3A_18] : memref<65536x256xi32, #tpu.memory_space<hbm>> -> memref<64x256xi32, #tpu.memory_space<hbm>>
        tpu.enqueue_dma source(%arg6 : memref<64x256xi32, #tpu.memory_space<vmem>>) target(%dma_start3A_19 : memref<64x256xi32, #tpu.memory_space<hbm>>) target_semaphore(%run_scoped3A : memref<!tpu.dma_semaphore, #tpu.memory_space<semaphore_mem>>)
        %dma_wait3A_20 = arith.constant 0 : i32
        %dma_wait3A_21 = tpu.memref_slice %arg4[%add3A_11, %dma_wait3A_20] : memref<65536x256xi32, #tpu.memory_space<hbm>> -> memref<64x256xi32, #tpu.memory_space<hbm>>
        %dma_wait3A_22 = arith.constant 0 : i32
        %dma_wait3A_23 = tpu.memref_slice %arg4[%add3A_11, %dma_wait3A_22] : memref<65536x256xi32, #tpu.memory_space<hbm>> -> memref<64x256xi32, #tpu.memory_space<hbm>>
        tpu.wait_dma2 semaphore(%run_scoped3A : memref<!tpu.dma_semaphore, #tpu.memory_space<semaphore_mem>>) src(%arg6 : memref<64x256xi32, #tpu.memory_space<vmem>>) dst(%dma_wait3A_23 : memref<64x256xi32, #tpu.memory_space<hbm>>)
        tpu.yield
      }) : () -> ()
    }
    %scan3A_5 = arith.constant 32 : i32
    return
  }
}

#map = affine_map<(d0, d1) -> (0)>
#map1 = affine_map<(d0, d1) -> (0, 0)>
module attributes {stable_mosaic.version = 14 : i64} {
  func.func @gk(%arg0: i32, %arg1: i32, %arg2: memref<65536xi32, #tpu.memory_space<hbm>>, %arg3: memref<8192x256xi32, #tpu.memory_space<hbm>>, %arg4: memref<65536x256xi32, #tpu.memory_space<hbm>>, %arg5: memref<64xi32, #tpu.memory_space<vmem>>, %arg6: memref<64x256xi32, #tpu.memory_space<vmem>>, %arg7: memref<!tpu.dma_semaphore, #tpu.memory_space<semaphore_mem>>) attributes {dimension_semantics = [#tpu.dimension_semantics<core_parallel>, #tpu.dimension_semantics<subcore_parallel>], iteration_bounds = array<i64: 2, 16>, scalar_prefetch = 0 : i64, scratch_operands = 3 : i64, tpu.core_type = #tpu.core_type<sc_vector_subcore>, window_params = [{transform_indices = #map}, {transform_indices = #map1}, {transform_indices = #map1}]} {
    %mul3A = arith.constant 2 : i32
    %mul3A_0 = arith.muli %arg1, %mul3A : i32
    %add3A = arith.addi %mul3A_0, %arg0 : i32
    %scan3A = arith.constant 0 : i32
    %scan3A_1 = arith.constant 0 : i32
    %scan3A_2 = arith.constant 32 : i32
    %scan3A_3 = arith.addi %scan3A_1, %scan3A_2 : i32
    %scan3A_4 = arith.constant 1 : i32
    scf.for %scan3A_6 = %scan3A_1 to %scan3A_3 step %scan3A_4  : i32 {
      %mul3A_7 = arith.constant 2048 : i32
      %mul3A_8 = arith.muli %add3A, %mul3A_7 : i32
      %mul3A_9 = arith.constant 64 : i32
      %mul3A_10 = arith.muli %scan3A_6, %mul3A_9 : i32
      %add3A_11 = arith.addi %mul3A_8, %mul3A_10 : i32
      "tpu.region"() ({
        %run_scoped3A = tpu.sem_alloc : memref<!tpu.dma_semaphore, #tpu.memory_space<semaphore_mem>>
        %dma_start3A_16 = tpu.memref_slice %arg2[%add3A_11] : memref<65536xi32, #tpu.memory_space<hbm>> -> memref<64xi32, #tpu.memory_space<hbm>>
        %dma_start3A_17 = tpu.memref_slice %arg2[%add3A_11] : memref<65536xi32, #tpu.memory_space<hbm>> -> memref<64xi32, #tpu.memory_space<hbm>>
        tpu.enqueue_dma source(%dma_start3A_17 : memref<64xi32, #tpu.memory_space<hbm>>) target(%arg5 : memref<64xi32, #tpu.memory_space<vmem>>) target_semaphore(%run_scoped3A : memref<!tpu.dma_semaphore, #tpu.memory_space<semaphore_mem>>)
        %dma_wait3A_18 = tpu.memref_slice %arg2[%add3A_11] : memref<65536xi32, #tpu.memory_space<hbm>> -> memref<64xi32, #tpu.memory_space<hbm>>
        %dma_wait3A_19 = tpu.memref_slice %arg2[%add3A_11] : memref<65536xi32, #tpu.memory_space<hbm>> -> memref<64xi32, #tpu.memory_space<hbm>>
        tpu.wait_dma2 semaphore(%run_scoped3A : memref<!tpu.dma_semaphore, #tpu.memory_space<semaphore_mem>>) src(%dma_wait3A_19 : memref<64xi32, #tpu.memory_space<hbm>>) dst(%arg5 : memref<64xi32, #tpu.memory_space<vmem>>)
        tpu.yield
      }) : () -> ()
      %dma_start3A = arith.constant 0 : i32
      %dma_start3A_12 = arith.constant 0 : i32
      %dma_start3A_13 = tpu.memref_slice %arg3[%dma_start3A, %dma_start3A_12] : memref<8192x256xi32, #tpu.memory_space<hbm>> -> memref<8192x256xi32, #tpu.memory_space<hbm>>
      tpu.enqueue_indirect_dma source(%dma_start3A_13 : memref<8192x256xi32, #tpu.memory_space<hbm>>) target(%arg6 : memref<64x256xi32, #tpu.memory_space<vmem>>) offsets(%arg5 : memref<64xi32, #tpu.memory_space<vmem>>) semaphore(%arg7 : memref<!tpu.dma_semaphore, #tpu.memory_space<semaphore_mem>>)
      %dma_wait3A = arith.constant 0 : i32
      %dma_wait3A_14 = arith.constant 0 : i32
      %dma_wait3A_15 = tpu.memref_slice %arg3[%dma_wait3A, %dma_wait3A_14] : memref<8192x256xi32, #tpu.memory_space<hbm>> -> memref<8192x256xi32, #tpu.memory_space<hbm>>
      tpu.wait_indirect_dma semaphore(%arg7 : memref<!tpu.dma_semaphore, #tpu.memory_space<semaphore_mem>>) src(%dma_wait3A_15 : memref<8192x256xi32, #tpu.memory_space<hbm>>) dst(%arg6 : memref<64x256xi32, #tpu.memory_space<vmem>>)
      "tpu.region"() ({
        %run_scoped3A = tpu.sem_alloc : memref<!tpu.dma_semaphore, #tpu.memory_space<semaphore_mem>>
        %dma_start3A_16 = arith.constant 0 : i32
        %dma_start3A_17 = tpu.memref_slice %arg4[%add3A_11, %dma_start3A_16] : memref<65536x256xi32, #tpu.memory_space<hbm>> -> memref<64x256xi32, #tpu.memory_space<hbm>>
        %dma_start3A_18 = arith.constant 0 : i32
        %dma_start3A_19 = tpu.memref_slice %arg4[%add3A_11, %dma_start3A_18] : memref<65536x256xi32, #tpu.memory_space<hbm>> -> memref<64x256xi32, #tpu.memory_space<hbm>>
        tpu.enqueue_dma source(%arg6 : memref<64x256xi32, #tpu.memory_space<vmem>>) target(%dma_start3A_19 : memref<64x256xi32, #tpu.memory_space<hbm>>) target_semaphore(%run_scoped3A : memref<!tpu.dma_semaphore, #tpu.memory_space<semaphore_mem>>)
        %dma_wait3A_20 = arith.constant 0 : i32
        %dma_wait3A_21 = tpu.memref_slice %arg4[%add3A_11, %dma_wait3A_20] : memref<65536x256xi32, #tpu.memory_space<hbm>> -> memref<64x256xi32, #tpu.memory_space<hbm>>
        %dma_wait3A_22 = arith.constant 0 : i32
        %dma_wait3A_23 = tpu.memref_slice %arg4[%add3A_11, %dma_wait3A_22] : memref<65536x256xi32, #tpu.memory_space<hbm>> -> memref<64x256xi32, #tpu.memory_space<hbm>>
        tpu.wait_dma2 semaphore(%run_scoped3A : memref<!tpu.dma_semaphore, #tpu.memory_space<semaphore_mem>>) src(%arg6 : memref<64x256xi32, #tpu.memory_space<vmem>>) dst(%dma_wait3A_23 : memref<64x256xi32, #tpu.memory_space<hbm>>)
        tpu.yield
      }) : () -> ()
    }
    %scan3A_5 = arith.constant 32 : i32
    return
  }
}

module attributes {stable_mosaic.version = 14 : i64} {
  func.func @_topk_body(%arg0: i32, %arg1: i32, %arg2: memref<1x2048x256xf32, #tpu.memory_space<vmem>>, %arg3: memref<1x256x256xf32, #tpu.memory_space<vmem>>, %arg4: memref<1x256x16xi32, #tpu.memory_space<vmem>>) attributes {dimension_semantics = [#tpu.dimension_semantics<arbitrary>, #tpu.dimension_semantics<arbitrary>], iteration_bounds = array<i64: 2, 8>, scalar_prefetch = 0 : i64, scratch_operands = 0 : i64, tpu.core_type = #tpu.core_type<tc>, window_params = [{transform_indices = @transform_0, window_bounds = array<i64: 1, 2048, 256>}, {transform_indices = @transform_1, window_bounds = array<i64: 1, 256, 256>}, {transform_indices = @transform_2, window_bounds = array<i64: 1, 256, 16>}]} {
    %add3A = arith.constant 2 : i32
    %add3A_0 = arith.addi %arg0, %add3A : i32
    %get3A = arith.constant 0 : index
    %get3A_1 = arith.constant 0 : index
    %get3A_2 = arith.constant 0 : index
    %get3A_3 = vector.load %arg2[%get3A, %get3A_1, %get3A_2] : memref<1x2048x256xf32, #tpu.memory_space<vmem>>, vector<1x2048x256xf32>
    %get3A_4 = vector.shape_cast %get3A_3 : vector<1x2048x256xf32> to vector<2048x256xf32>
    %get3A_5 = arith.constant 0 : index
    %get3A_6 = arith.constant 0 : index
    %get3A_7 = arith.constant 0 : index
    %get3A_8 = vector.load %arg3[%get3A_5, %get3A_6, %get3A_7] : memref<1x256x256xf32, #tpu.memory_space<vmem>>, vector<1x256x256xf32>
    %get3A_9 = vector.shape_cast %get3A_8 : vector<1x256x256xf32> to vector<256x256xf32>
    %mul3A = arith.mulf %get3A_4, %get3A_4 : vector<2048x256xf32>
    %reduce_sum3A = arith.constant dense<0.000000e+00> : vector<2048xf32>
    %reduce_sum3A_10 = vector.multi_reduction <add>, %mul3A, %reduce_sum3A [1] : vector<2048x256xf32> to vector<2048xf32>
    %broadcast_in_dim3A = vector.shape_cast %reduce_sum3A_10 : vector<2048xf32> to vector<2048x1xf32>
    %convert_element_type3A = arith.truncf %get3A_9 : vector<256x256xf32> to vector<256x256xbf16>
    %convert_element_type3A_11 = arith.truncf %get3A_4 : vector<2048x256xf32> to vector<2048x256xbf16>
    %dot_general3A = arith.constant dense<0.000000e+00> : vector<256x2048xf32>
    %dot_general3A_12 = tpu.matmul %convert_element_type3A, %convert_element_type3A_11, %dot_general3A {dimension_numbers = #tpu.dot_dimension_numbers<[1], [1], [0], [0], [0, 0, 1, 0], [], []>, transpose_lhs_hint = false} : vector<256x256xbf16>, vector<2048x256xbf16>, vector<256x2048xf32> -> vector<256x2048xf32>
    %mul3A_13 = arith.constant -2.000000e+00 : f32
    %mul3A_14 = vector.broadcast %mul3A_13 : f32 to vector<256x2048xf32>
    %mul3A_15 = arith.mulf %mul3A_14, %dot_general3A_12 : vector<256x2048xf32>
    %transpose3A = tpu.transpose %broadcast_in_dim3A, [1, 0] : vector<2048x1xf32> -> vector<1x2048xf32>
    %add3A_16 = vector.broadcast %transpose3A : vector<1x2048xf32> to vector<256x2048xf32>
    %add3A_17 = arith.addf %mul3A_15, %add3A_16 : vector<256x2048xf32>
    %iota3A = tpu.iota {dimensions = array<i32: 1>} : vector<256x2048xi32>
    %iota3A_18 = tpu.iota {dimensions = array<i32: 0>} : vector<256x1xi32>
    %mul3A_19 = arith.constant 256 : i32
    %mul3A_20 = arith.muli %arg1, %mul3A_19 : i32
    %add3A_21 = vector.broadcast %mul3A_20 : i32 to vector<256x1xi32>
    %add3A_22 = arith.addi %iota3A_18, %add3A_21 : vector<256x1xi32>
    %eq3A = vector.broadcast %add3A_22 : vector<256x1xi32> to vector<256x2048xi32>
    %eq3A_23 = arith.cmpi eq, %iota3A, %eq3A : vector<256x2048xi32>
    %jit3A = arith.constant 0x7F800000 : f32
    %broadcast_in_dim3A_24 = vector.broadcast %jit3A : f32 to vector<256x2048xf32>
    %select_n3A = arith.select %eq3A_23, %broadcast_in_dim3A_24, %add3A_17 : vector<256x2048xi1>, vector<256x2048xf32>
    %reduce_min3A = arith.constant dense<0x7F800000> : vector<256xf32>
    %reduce_min3A_25 = vector.multi_reduction <minimumf>, %select_n3A, %reduce_min3A [1] : vector<256x2048xf32> to vector<256xf32>
    %broadcast_in_dim3A_26 = vector.shape_cast %reduce_min3A_25 : vector<256xf32> to vector<256x1xf32>
    %eq3A_27 = vector.broadcast %broadcast_in_dim3A_26 : vector<256x1xf32> to vector<256x2048xf32>
    %eq3A_28 = arith.cmpf oeq, %select_n3A, %eq3A_27 : vector<256x2048xf32>
    %jit3A_29 = arith.constant 2048 : i32
    %broadcast_in_dim3A_30 = vector.broadcast %jit3A_29 : i32 to vector<256x2048xi32>
    %select_n3A_31 = arith.select %eq3A_28, %iota3A, %broadcast_in_dim3A_30 : vector<256x2048xi1>, vector<256x2048xi32>
    %reduce_min3A_32 = arith.constant dense<2147483647> : vector<256xi32>
    %reduce_min3A_33 = vector.multi_reduction <minsi>, %select_n3A_31, %reduce_min3A_32 [1] : vector<256x2048xi32> to vector<256xi32>
    %broadcast_in_dim3A_34 = vector.shape_cast %reduce_min3A_33 : vector<256xi32> to vector<256x1xi32>
    %jit3A_35 = arith.constant 0x7F800000 : f32
    %broadcast_in_dim3A_36 = vector.broadcast %jit3A_35 : f32 to vector<256x2048xf32>
    %select_n3A_37 = arith.select %eq3A_28, %broadcast_in_dim3A_36, %select_n3A : vector<256x2048xi1>, vector<256x2048xf32>
    %reduce_min3A_38 = arith.constant dense<0x7F800000> : vector<256xf32>
    %reduce_min3A_39 = vector.multi_reduction <minimumf>, %select_n3A_37, %reduce_min3A_38 [1] : vector<256x2048xf32> to vector<256xf32>
    %broadcast_in_dim3A_40 = vector.shape_cast %reduce_min3A_39 : vector<256xf32> to vector<256x1xf32>
    %eq3A_41 = vector.broadcast %broadcast_in_dim3A_40 : vector<256x1xf32> to vector<256x2048xf32>
    %eq3A_42 = arith.cmpf oeq, %select_n3A_37, %eq3A_41 : vector<256x2048xf32>
    %jit3A_43 = arith.constant 2048 : i32
    %broadcast_in_dim3A_44 = vector.broadcast %jit3A_43 : i32 to vector<256x2048xi32>
    %select_n3A_45 = arith.select %eq3A_42, %iota3A, %broadcast_in_dim3A_44 : vector<256x2048xi1>, vector<256x2048xi32>
    %reduce_min3A_46 = arith.constant dense<2147483647> : vector<256xi32>
    %reduce_min3A_47 = vector.multi_reduction <minsi>, %select_n3A_45, %reduce_min3A_46 [1] : vector<256x2048xi32> to vector<256xi32>
    %broadcast_in_dim3A_48 = vector.shape_cast %reduce_min3A_47 : vector<256xi32> to vector<256x1xi32>
    %jit3A_49 = arith.constant 0x7F800000 : f32
    %broadcast_in_dim3A_50 = vector.broadcast %jit3A_49 : f32 to vector<256x2048xf32>
    %select_n3A_51 = arith.select %eq3A_42, %broadcast_in_dim3A_50, %select_n3A_37 : vector<256x2048xi1>, vector<256x2048xf32>
    %reduce_min3A_52 = arith.constant dense<0x7F800000> : vector<256xf32>
    %reduce_min3A_53 = vector.multi_reduction <minimumf>, %select_n3A_51, %reduce_min3A_52 [1] : vector<256x2048xf32> to vector<256xf32>
    %broadcast_in_dim3A_54 = vector.shape_cast %reduce_min3A_53 : vector<256xf32> to vector<256x1xf32>
    %eq3A_55 = vector.broadcast %broadcast_in_dim3A_54 : vector<256x1xf32> to vector<256x2048xf32>
    %eq3A_56 = arith.cmpf oeq, %select_n3A_51, %eq3A_55 : vector<256x2048xf32>
    %jit3A_57 = arith.constant 2048 : i32
    %broadcast_in_dim3A_58 = vector.broadcast %jit3A_57 : i32 to vector<256x2048xi32>
    %select_n3A_59 = arith.select %eq3A_56, %iota3A, %broadcast_in_dim3A_58 : vector<256x2048xi1>, vector<256x2048xi32>
    %reduce_min3A_60 = arith.constant dense<2147483647> : vector<256xi32>
    %reduce_min3A_61 = vector.multi_reduction <minsi>, %select_n3A_59, %reduce_min3A_60 [1] : vector<256x2048xi32> to vector<256xi32>
    %broadcast_in_dim3A_62 = vector.shape_cast %reduce_min3A_61 : vector<256xi32> to vector<256x1xi32>
    %jit3A_63 = arith.constant 0x7F800000 : f32
    %broadcast_in_dim3A_64 = vector.broadcast %jit3A_63 : f32 to vector<256x2048xf32>
    %select_n3A_65 = arith.select %eq3A_56, %broadcast_in_dim3A_64, %select_n3A_51 : vector<256x2048xi1>, vector<256x2048xf32>
    %reduce_min3A_66 = arith.constant dense<0x7F800000> : vector<256xf32>
    %reduce_min3A_67 = vector.multi_reduction <minimumf>, %select_n3A_65, %reduce_min3A_66 [1] : vector<256x2048xf32> to vector<256xf32>
    %broadcast_in_dim3A_68 = vector.shape_cast %reduce_min3A_67 : vector<256xf32> to vector<256x1xf32>
    %eq3A_69 = vector.broadcast %broadcast_in_dim3A_68 : vector<256x1xf32> to vector<256x2048xf32>
    %eq3A_70 = arith.cmpf oeq, %select_n3A_65, %eq3A_69 : vector<256x2048xf32>
    %jit3A_71 = arith.constant 2048 : i32
    %broadcast_in_dim3A_72 = vector.broadcast %jit3A_71 : i32 to vector<256x2048xi32>
    %select_n3A_73 = arith.select %eq3A_70, %iota3A, %broadcast_in_dim3A_72 : vector<256x2048xi1>, vector<256x2048xi32>
    %reduce_min3A_74 = arith.constant dense<2147483647> : vector<256xi32>
    %reduce_min3A_75 = vector.multi_reduction <minsi>, %select_n3A_73, %reduce_min3A_74 [1] : vector<256x2048xi32> to vector<256xi32>
    %broadcast_in_dim3A_76 = vector.shape_cast %reduce_min3A_75 : vector<256xi32> to vector<256x1xi32>
    %jit3A_77 = arith.constant 0x7F800000 : f32
    %broadcast_in_dim3A_78 = vector.broadcast %jit3A_77 : f32 to vector<256x2048xf32>
    %select_n3A_79 = arith.select %eq3A_70, %broadcast_in_dim3A_78, %select_n3A_65 : vector<256x2048xi1>, vector<256x2048xf32>
    %reduce_min3A_80 = arith.constant dense<0x7F800000> : vector<256xf32>
    %reduce_min3A_81 = vector.multi_reduction <minimumf>, %select_n3A_79, %reduce_min3A_80 [1] : vector<256x2048xf32> to vector<256xf32>
    %broadcast_in_dim3A_82 = vector.shape_cast %reduce_min3A_81 : vector<256xf32> to vector<256x1xf32>
    %eq3A_83 = vector.broadcast %broadcast_in_dim3A_82 : vector<256x1xf32> to vector<256x2048xf32>
    %eq3A_84 = arith.cmpf oeq, %select_n3A_79, %eq3A_83 : vector<256x2048xf32>
    %jit3A_85 = arith.constant 2048 : i32
    %broadcast_in_dim3A_86 = vector.broadcast %jit3A_85 : i32 to vector<256x2048xi32>
    %select_n3A_87 = arith.select %eq3A_84, %iota3A, %broadcast_in_dim3A_86 : vector<256x2048xi1>, vector<256x2048xi32>
    %reduce_min3A_88 = arith.constant dense<2147483647> : vector<256xi32>
    %reduce_min3A_89 = vector.multi_reduction <minsi>, %select_n3A_87, %reduce_min3A_88 [1] : vector<256x2048xi32> to vector<256xi32>
    %broadcast_in_dim3A_90 = vector.shape_cast %reduce_min3A_89 : vector<256xi32> to vector<256x1xi32>
    %jit3A_91 = arith.constant 0x7F800000 : f32
    %broadcast_in_dim3A_92 = vector.broadcast %jit3A_91 : f32 to vector<256x2048xf32>
    %select_n3A_93 = arith.select %eq3A_84, %broadcast_in_dim3A_92, %select_n3A_79 : vector<256x2048xi1>, vector<256x2048xf32>
    %reduce_min3A_94 = arith.constant dense<0x7F800000> : vector<256xf32>
    %reduce_min3A_95 = vector.multi_reduction <minimumf>, %select_n3A_93, %reduce_min3A_94 [1] : vector<256x2048xf32> to vector<256xf32>
    %broadcast_in_dim3A_96 = vector.shape_cast %reduce_min3A_95 : vector<256xf32> to vector<256x1xf32>
    %eq3A_97 = vector.broadcast %broadcast_in_dim3A_96 : vector<256x1xf32> to vector<256x2048xf32>
    %eq3A_98 = arith.cmpf oeq, %select_n3A_93, %eq3A_97 : vector<256x2048xf32>
    %jit3A_99 = arith.constant 2048 : i32
    %broadcast_in_dim3A_100 = vector.broadcast %jit3A_99 : i32 to vector<256x2048xi32>
    %select_n3A_101 = arith.select %eq3A_98, %iota3A, %broadcast_in_dim3A_100 : vector<256x2048xi1>, vector<256x2048xi32>
    %reduce_min3A_102 = arith.constant dense<2147483647> : vector<256xi32>
    %reduce_min3A_103 = vector.multi_reduction <minsi>, %select_n3A_101, %reduce_min3A_102 [1] : vector<256x2048xi32> to vector<256xi32>
    %broadcast_in_dim3A_104 = vector.shape_cast %reduce_min3A_103 : vector<256xi32> to vector<256x1xi32>
    %jit3A_105 = arith.constant 0x7F800000 : f32
    %broadcast_in_dim3A_106 = vector.broadcast %jit3A_105 : f32 to vector<256x2048xf32>
    %select_n3A_107 = arith.select %eq3A_98, %broadcast_in_dim3A_106, %select_n3A_93 : vector<256x2048xi1>, vector<256x2048xf32>
    %reduce_min3A_108 = arith.constant dense<0x7F800000> : vector<256xf32>
    %reduce_min3A_109 = vector.multi_reduction <minimumf>, %select_n3A_107, %reduce_min3A_108 [1] : vector<256x2048xf32> to vector<256xf32>
    %broadcast_in_dim3A_110 = vector.shape_cast %reduce_min3A_109 : vector<256xf32> to vector<256x1xf32>
    %eq3A_111 = vector.broadcast %broadcast_in_dim3A_110 : vector<256x1xf32> to vector<256x2048xf32>
    %eq3A_112 = arith.cmpf oeq, %select_n3A_107, %eq3A_111 : vector<256x2048xf32>
    %jit3A_113 = arith.constant 2048 : i32
    %broadcast_in_dim3A_114 = vector.broadcast %jit3A_113 : i32 to vector<256x2048xi32>
    %select_n3A_115 = arith.select %eq3A_112, %iota3A, %broadcast_in_dim3A_114 : vector<256x2048xi1>, vector<256x2048xi32>
    %reduce_min3A_116 = arith.constant dense<2147483647> : vector<256xi32>
    %reduce_min3A_117 = vector.multi_reduction <minsi>, %select_n3A_115, %reduce_min3A_116 [1] : vector<256x2048xi32> to vector<256xi32>
    %broadcast_in_dim3A_118 = vector.shape_cast %reduce_min3A_117 : vector<256xi32> to vector<256x1xi32>
    %jit3A_119 = arith.constant 0x7F800000 : f32
    %broadcast_in_dim3A_120 = vector.broadcast %jit3A_119 : f32 to vector<256x2048xf32>
    %select_n3A_121 = arith.select %eq3A_112, %broadcast_in_dim3A_120, %select_n3A_107 : vector<256x2048xi1>, vector<256x2048xf32>
    %reduce_min3A_122 = arith.constant dense<0x7F800000> : vector<256xf32>
    %reduce_min3A_123 = vector.multi_reduction <minimumf>, %select_n3A_121, %reduce_min3A_122 [1] : vector<256x2048xf32> to vector<256xf32>
    %broadcast_in_dim3A_124 = vector.shape_cast %reduce_min3A_123 : vector<256xf32> to vector<256x1xf32>
    %eq3A_125 = vector.broadcast %broadcast_in_dim3A_124 : vector<256x1xf32> to vector<256x2048xf32>
    %eq3A_126 = arith.cmpf oeq, %select_n3A_121, %eq3A_125 : vector<256x2048xf32>
    %jit3A_127 = arith.constant 2048 : i32
    %broadcast_in_dim3A_128 = vector.broadcast %jit3A_127 : i32 to vector<256x2048xi32>
    %select_n3A_129 = arith.select %eq3A_126, %iota3A, %broadcast_in_dim3A_128 : vector<256x2048xi1>, vector<256x2048xi32>
    %reduce_min3A_130 = arith.constant dense<2147483647> : vector<256xi32>
    %reduce_min3A_131 = vector.multi_reduction <minsi>, %select_n3A_129, %reduce_min3A_130 [1] : vector<256x2048xi32> to vector<256xi32>
    %broadcast_in_dim3A_132 = vector.shape_cast %reduce_min3A_131 : vector<256xi32> to vector<256x1xi32>
    %jit3A_133 = arith.constant 0x7F800000 : f32
    %broadcast_in_dim3A_134 = vector.broadcast %jit3A_133 : f32 to vector<256x2048xf32>
    %select_n3A_135 = arith.select %eq3A_126, %broadcast_in_dim3A_134, %select_n3A_121 : vector<256x2048xi1>, vector<256x2048xf32>
    %reduce_min3A_136 = arith.constant dense<0x7F800000> : vector<256xf32>
    %reduce_min3A_137 = vector.multi_reduction <minimumf>, %select_n3A_135, %reduce_min3A_136 [1] : vector<256x2048xf32> to vector<256xf32>
    %broadcast_in_dim3A_138 = vector.shape_cast %reduce_min3A_137 : vector<256xf32> to vector<256x1xf32>
    %eq3A_139 = vector.broadcast %broadcast_in_dim3A_138 : vector<256x1xf32> to vector<256x2048xf32>
    %eq3A_140 = arith.cmpf oeq, %select_n3A_135, %eq3A_139 : vector<256x2048xf32>
    %jit3A_141 = arith.constant 2048 : i32
    %broadcast_in_dim3A_142 = vector.broadcast %jit3A_141 : i32 to vector<256x2048xi32>
    %select_n3A_143 = arith.select %eq3A_140, %iota3A, %broadcast_in_dim3A_142 : vector<256x2048xi1>, vector<256x2048xi32>
    %reduce_min3A_144 = arith.constant dense<2147483647> : vector<256xi32>
    %reduce_min3A_145 = vector.multi_reduction <minsi>, %select_n3A_143, %reduce_min3A_144 [1] : vector<256x2048xi32> to vector<256xi32>
    %broadcast_in_dim3A_146 = vector.shape_cast %reduce_min3A_145 : vector<256xi32> to vector<256x1xi32>
    %jit3A_147 = arith.constant 0x7F800000 : f32
    %broadcast_in_dim3A_148 = vector.broadcast %jit3A_147 : f32 to vector<256x2048xf32>
    %select_n3A_149 = arith.select %eq3A_140, %broadcast_in_dim3A_148, %select_n3A_135 : vector<256x2048xi1>, vector<256x2048xf32>
    %reduce_min3A_150 = arith.constant dense<0x7F800000> : vector<256xf32>
    %reduce_min3A_151 = vector.multi_reduction <minimumf>, %select_n3A_149, %reduce_min3A_150 [1] : vector<256x2048xf32> to vector<256xf32>
    %broadcast_in_dim3A_152 = vector.shape_cast %reduce_min3A_151 : vector<256xf32> to vector<256x1xf32>
    %eq3A_153 = vector.broadcast %broadcast_in_dim3A_152 : vector<256x1xf32> to vector<256x2048xf32>
    %eq3A_154 = arith.cmpf oeq, %select_n3A_149, %eq3A_153 : vector<256x2048xf32>
    %jit3A_155 = arith.constant 2048 : i32
    %broadcast_in_dim3A_156 = vector.broadcast %jit3A_155 : i32 to vector<256x2048xi32>
    %select_n3A_157 = arith.select %eq3A_154, %iota3A, %broadcast_in_dim3A_156 : vector<256x2048xi1>, vector<256x2048xi32>
    %reduce_min3A_158 = arith.constant dense<2147483647> : vector<256xi32>
    %reduce_min3A_159 = vector.multi_reduction <minsi>, %select_n3A_157, %reduce_min3A_158 [1] : vector<256x2048xi32> to vector<256xi32>
    %broadcast_in_dim3A_160 = vector.shape_cast %reduce_min3A_159 : vector<256xi32> to vector<256x1xi32>
    %jit3A_161 = arith.constant 0x7F800000 : f32
    %broadcast_in_dim3A_162 = vector.broadcast %jit3A_161 : f32 to vector<256x2048xf32>
    %select_n3A_163 = arith.select %eq3A_154, %broadcast_in_dim3A_162, %select_n3A_149 : vector<256x2048xi1>, vector<256x2048xf32>
    %reduce_min3A_164 = arith.constant dense<0x7F800000> : vector<256xf32>
    %reduce_min3A_165 = vector.multi_reduction <minimumf>, %select_n3A_163, %reduce_min3A_164 [1] : vector<256x2048xf32> to vector<256xf32>
    %broadcast_in_dim3A_166 = vector.shape_cast %reduce_min3A_165 : vector<256xf32> to vector<256x1xf32>
    %eq3A_167 = vector.broadcast %broadcast_in_dim3A_166 : vector<256x1xf32> to vector<256x2048xf32>
    %eq3A_168 = arith.cmpf oeq, %select_n3A_163, %eq3A_167 : vector<256x2048xf32>
    %jit3A_169 = arith.constant 2048 : i32
    %broadcast_in_dim3A_170 = vector.broadcast %jit3A_169 : i32 to vector<256x2048xi32>
    %select_n3A_171 = arith.select %eq3A_168, %iota3A, %broadcast_in_dim3A_170 : vector<256x2048xi1>, vector<256x2048xi32>
    %reduce_min3A_172 = arith.constant dense<2147483647> : vector<256xi32>
    %reduce_min3A_173 = vector.multi_reduction <minsi>, %select_n3A_171, %reduce_min3A_172 [1] : vector<256x2048xi32> to vector<256xi32>
    %broadcast_in_dim3A_174 = vector.shape_cast %reduce_min3A_173 : vector<256xi32> to vector<256x1xi32>
    %jit3A_175 = arith.constant 0x7F800000 : f32
    %broadcast_in_dim3A_176 = vector.broadcast %jit3A_175 : f32 to vector<256x2048xf32>
    %select_n3A_177 = arith.select %eq3A_168, %broadcast_in_dim3A_176, %select_n3A_163 : vector<256x2048xi1>, vector<256x2048xf32>
    %reduce_min3A_178 = arith.constant dense<0x7F800000> : vector<256xf32>
    %reduce_min3A_179 = vector.multi_reduction <minimumf>, %select_n3A_177, %reduce_min3A_178 [1] : vector<256x2048xf32> to vector<256xf32>
    %broadcast_in_dim3A_180 = vector.shape_cast %reduce_min3A_179 : vector<256xf32> to vector<256x1xf32>
    %eq3A_181 = vector.broadcast %broadcast_in_dim3A_180 : vector<256x1xf32> to vector<256x2048xf32>
    %eq3A_182 = arith.cmpf oeq, %select_n3A_177, %eq3A_181 : vector<256x2048xf32>
    %jit3A_183 = arith.constant 2048 : i32
    %broadcast_in_dim3A_184 = vector.broadcast %jit3A_183 : i32 to vector<256x2048xi32>
    %select_n3A_185 = arith.select %eq3A_182, %iota3A, %broadcast_in_dim3A_184 : vector<256x2048xi1>, vector<256x2048xi32>
    %reduce_min3A_186 = arith.constant dense<2147483647> : vector<256xi32>
    %reduce_min3A_187 = vector.multi_reduction <minsi>, %select_n3A_185, %reduce_min3A_186 [1] : vector<256x2048xi32> to vector<256xi32>
    %broadcast_in_dim3A_188 = vector.shape_cast %reduce_min3A_187 : vector<256xi32> to vector<256x1xi32>
    %jit3A_189 = arith.constant 0x7F800000 : f32
    %broadcast_in_dim3A_190 = vector.broadcast %jit3A_189 : f32 to vector<256x2048xf32>
    %select_n3A_191 = arith.select %eq3A_182, %broadcast_in_dim3A_190, %select_n3A_177 : vector<256x2048xi1>, vector<256x2048xf32>
    %reduce_min3A_192 = arith.constant dense<0x7F800000> : vector<256xf32>
    %reduce_min3A_193 = vector.multi_reduction <minimumf>, %select_n3A_191, %reduce_min3A_192 [1] : vector<256x2048xf32> to vector<256xf32>
    %broadcast_in_dim3A_194 = vector.shape_cast %reduce_min3A_193 : vector<256xf32> to vector<256x1xf32>
    %eq3A_195 = vector.broadcast %broadcast_in_dim3A_194 : vector<256x1xf32> to vector<256x2048xf32>
    %eq3A_196 = arith.cmpf oeq, %select_n3A_191, %eq3A_195 : vector<256x2048xf32>
    %jit3A_197 = arith.constant 2048 : i32
    %broadcast_in_dim3A_198 = vector.broadcast %jit3A_197 : i32 to vector<256x2048xi32>
    %select_n3A_199 = arith.select %eq3A_196, %iota3A, %broadcast_in_dim3A_198 : vector<256x2048xi1>, vector<256x2048xi32>
    %reduce_min3A_200 = arith.constant dense<2147483647> : vector<256xi32>
    %reduce_min3A_201 = vector.multi_reduction <minsi>, %select_n3A_199, %reduce_min3A_200 [1] : vector<256x2048xi32> to vector<256xi32>
    %broadcast_in_dim3A_202 = vector.shape_cast %reduce_min3A_201 : vector<256xi32> to vector<256x1xi32>
    %jit3A_203 = arith.constant 0x7F800000 : f32
    %broadcast_in_dim3A_204 = vector.broadcast %jit3A_203 : f32 to vector<256x2048xf32>
    %select_n3A_205 = arith.select %eq3A_196, %broadcast_in_dim3A_204, %select_n3A_191 : vector<256x2048xi1>, vector<256x2048xf32>
    %reduce_min3A_206 = arith.constant dense<0x7F800000> : vector<256xf32>
    %reduce_min3A_207 = vector.multi_reduction <minimumf>, %select_n3A_205, %reduce_min3A_206 [1] : vector<256x2048xf32> to vector<256xf32>
    %broadcast_in_dim3A_208 = vector.shape_cast %reduce_min3A_207 : vector<256xf32> to vector<256x1xf32>
    %eq3A_209 = vector.broadcast %broadcast_in_dim3A_208 : vector<256x1xf32> to vector<256x2048xf32>
    %eq3A_210 = arith.cmpf oeq, %select_n3A_205, %eq3A_209 : vector<256x2048xf32>
    %jit3A_211 = arith.constant 2048 : i32
    %broadcast_in_dim3A_212 = vector.broadcast %jit3A_211 : i32 to vector<256x2048xi32>
    %select_n3A_213 = arith.select %eq3A_210, %iota3A, %broadcast_in_dim3A_212 : vector<256x2048xi1>, vector<256x2048xi32>
    %reduce_min3A_214 = arith.constant dense<2147483647> : vector<256xi32>
    %reduce_min3A_215 = vector.multi_reduction <minsi>, %select_n3A_213, %reduce_min3A_214 [1] : vector<256x2048xi32> to vector<256xi32>
    %broadcast_in_dim3A_216 = vector.shape_cast %reduce_min3A_215 : vector<256xi32> to vector<256x1xi32>
    %jit3A_217 = arith.constant 0x7F800000 : f32
    %broadcast_in_dim3A_218 = vector.broadcast %jit3A_217 : f32 to vector<256x2048xf32>
    %select_n3A_219 = arith.select %eq3A_210, %broadcast_in_dim3A_218, %select_n3A_205 : vector<256x2048xi1>, vector<256x2048xf32>
    %reduce_min3A_220 = arith.constant dense<0x7F800000> : vector<256xf32>
    %reduce_min3A_221 = vector.multi_reduction <minimumf>, %select_n3A_219, %reduce_min3A_220 [1] : vector<256x2048xf32> to vector<256xf32>
    %broadcast_in_dim3A_222 = vector.shape_cast %reduce_min3A_221 : vector<256xf32> to vector<256x1xf32>
    %eq3A_223 = vector.broadcast %broadcast_in_dim3A_222 : vector<256x1xf32> to vector<256x2048xf32>
    %eq3A_224 = arith.cmpf oeq, %select_n3A_219, %eq3A_223 : vector<256x2048xf32>
    %jit3A_225 = arith.constant 2048 : i32
    %broadcast_in_dim3A_226 = vector.broadcast %jit3A_225 : i32 to vector<256x2048xi32>
    %select_n3A_227 = arith.select %eq3A_224, %iota3A, %broadcast_in_dim3A_226 : vector<256x2048xi1>, vector<256x2048xi32>
    %reduce_min3A_228 = arith.constant dense<2147483647> : vector<256xi32>
    %reduce_min3A_229 = vector.multi_reduction <minsi>, %select_n3A_227, %reduce_min3A_228 [1] : vector<256x2048xi32> to vector<256xi32>
    %broadcast_in_dim3A_230 = vector.shape_cast %reduce_min3A_229 : vector<256xi32> to vector<256x1xi32>
    %concatenate3A = tpu.concatenate %add3A_22, %broadcast_in_dim3A_34, %broadcast_in_dim3A_48, %broadcast_in_dim3A_62, %broadcast_in_dim3A_76, %broadcast_in_dim3A_90, %broadcast_in_dim3A_104, %broadcast_in_dim3A_118, %broadcast_in_dim3A_132, %broadcast_in_dim3A_146, %broadcast_in_dim3A_160, %broadcast_in_dim3A_174, %broadcast_in_dim3A_188, %broadcast_in_dim3A_202, %broadcast_in_dim3A_216, %broadcast_in_dim3A_230 in 1 : vector<256x1xi32>, vector<256x1xi32>, vector<256x1xi32>, vector<256x1xi32>, vector<256x1xi32>, vector<256x1xi32>, vector<256x1xi32>, vector<256x1xi32>, vector<256x1xi32>, vector<256x1xi32>, vector<256x1xi32>, vector<256x1xi32>, vector<256x1xi32>, vector<256x1xi32>, vector<256x1xi32>, vector<256x1xi32> -> vector<256x16xi32>
    %mul3A_231 = arith.constant 2048 : i32
    %mul3A_232 = arith.muli %add3A_0, %mul3A_231 : i32
    %add3A_233 = vector.broadcast %mul3A_232 : i32 to vector<256x16xi32>
    %add3A_234 = arith.addi %concatenate3A, %add3A_233 : vector<256x16xi32>
    %swap3A = arith.constant 0 : index
    %swap3A_235 = arith.constant 0 : index
    %swap3A_236 = arith.constant 0 : index
    %swap3A_237 = vector.load %arg4[%swap3A, %swap3A_235, %swap3A_236] : memref<1x256x16xi32, #tpu.memory_space<vmem>>, vector<1x256x16xi32>
    %swap3A_238 = vector.shape_cast %swap3A_237 : vector<1x256x16xi32> to vector<256x16xi32>
    %swap3A_239 = vector.shape_cast %add3A_234 : vector<256x16xi32> to vector<1x256x16xi32>
    tpu.vector_store %arg4[%swap3A, %swap3A_235, %swap3A_236], %swap3A_239 {strides = array<i32>} : memref<1x256x16xi32, #tpu.memory_space<vmem>>, vector<1x256x16xi32>,
    return
  }
  func.func @transform_0(%arg0: i32, %arg1: i32) -> (i32, i32, i32) {
    %c0_i32 = arith.constant 0 : i32
    %c0_i32_0 = arith.constant 0 : i32
    %c0_i32_1 = arith.constant 0 : i32
    return %arg0, %c0_i32, %c0_i32_0 : i32, i32, i32
  }
  func.func @transform_1(%arg0: i32, %arg1: i32) -> (i32, i32, i32) {
    %c0_i32 = arith.constant 0 : i32
    %c0_i32_0 = arith.constant 0 : i32
    return %arg0, %arg1, %c0_i32 : i32, i32, i32
  }
  func.func @transform_2(%arg0: i32, %arg1: i32) -> (i32, i32, i32) {
    %c0_i32 = arith.constant 0 : i32
    %c0_i32_0 = arith.constant 0 : i32
    return %arg0, %arg1, %c0_i32 : i32, i32, i32
  }
}

module attributes {stable_mosaic.version = 14 : i64} {
  func.func @_proj_body(%arg0: i32, %arg1: memref<512x256xf32, #tpu.memory_space<vmem>>, %arg2: memref<256x256xf32, #tpu.memory_space<vmem>>, %arg3: memref<1x256xf32, #tpu.memory_space<vmem>>, %arg4: memref<256x256xf32, #tpu.memory_space<vmem>>, %arg5: memref<256x256xf32, #tpu.memory_space<vmem>>, %arg6: memref<256x256xf32, #tpu.memory_space<vmem>>, %arg7: memref<256x256xf32, #tpu.memory_space<vmem>>, %arg8: memref<1x256xf32, #tpu.memory_space<vmem>>, %arg9: memref<512x256xf32, #tpu.memory_space<vmem>>, %arg10: memref<512x256xi32, #tpu.memory_space<vmem>>) attributes {dimension_semantics = [#tpu.dimension_semantics<arbitrary>], iteration_bounds = array<i64: 16>, scalar_prefetch = 0 : i64, scratch_operands = 0 : i64, tpu.core_type = #tpu.core_type<tc>, window_params = [{transform_indices = @transform_0, window_bounds = array<i64: 512, 256>}, {pipeline_mode = #tpu.pipeline_mode<synchronous>, transform_indices = @transform_1, window_bounds = array<i64: 256, 256>}, {pipeline_mode = #tpu.pipeline_mode<synchronous>, transform_indices = @transform_2, window_bounds = array<i64: 1, 256>}, {pipeline_mode = #tpu.pipeline_mode<synchronous>, transform_indices = @transform_3, window_bounds = array<i64: 256, 256>}, {pipeline_mode = #tpu.pipeline_mode<synchronous>, transform_indices = @transform_4, window_bounds = array<i64: 256, 256>}, {pipeline_mode = #tpu.pipeline_mode<synchronous>, transform_indices = @transform_5, window_bounds = array<i64: 256, 256>}, {pipeline_mode = #tpu.pipeline_mode<synchronous>, transform_indices = @transform_6, window_bounds = array<i64: 256, 256>}, {pipeline_mode = #tpu.pipeline_mode<synchronous>, transform_indices = @transform_7, window_bounds = array<i64: 1, 256>}, {transform_indices = @transform_8, window_bounds = array<i64: 512, 256>}, {transform_indices = @transform_9, window_bounds = array<i64: 512, 256>}]} {
    %get3A = arith.constant 0 : index
    %get3A_0 = arith.constant 0 : index
    %get3A_1 = vector.load %arg1[%get3A, %get3A_0] : memref<512x256xf32, #tpu.memory_space<vmem>>, vector<512x256xf32>
    %get3A_2 = arith.constant 0 : index
    %get3A_3 = arith.constant 0 : index
    %get3A_4 = vector.load %arg2[%get3A_2, %get3A_3] : memref<256x256xf32, #tpu.memory_space<vmem>>, vector<256x256xf32>
    %dot_general3A = arith.constant dense<0.000000e+00> : vector<512x256xf32>
    %dot_general3A_5 = tpu.matmul %get3A_1, %get3A_4, %dot_general3A {dimension_numbers = #tpu.dot_dimension_numbers<[1], [0], [0], [1], [0, 0, 1, 1], [], []>, transpose_lhs_hint = false} : vector<512x256xf32>, vector<256x256xf32>, vector<512x256xf32> -> vector<512x256xf32>
    %get3A_6 = arith.constant 0 : index
    %get3A_7 = arith.constant 0 : index
    %get3A_8 = vector.load %arg3[%get3A_6, %get3A_7] : memref<1x256xf32, #tpu.memory_space<vmem>>, vector<1x256xf32>
    %add3A = vector.broadcast %get3A_8 : vector<1x256xf32> to vector<512x256xf32>
    %add3A_9 = arith.addf %dot_general3A_5, %add3A : vector<512x256xf32>
    %get3A_10 = arith.constant 0 : index
    %get3A_11 = arith.constant 0 : index
    %get3A_12 = vector.load %arg7[%get3A_10, %get3A_11] : memref<256x256xf32, #tpu.memory_space<vmem>>, vector<256x256xf32>
    %get3A_13 = arith.constant 0 : index
    %get3A_14 = arith.constant 0 : index
    %get3A_15 = vector.load %arg4[%get3A_13, %get3A_14] : memref<256x256xf32, #tpu.memory_space<vmem>>, vector<256x256xf32>
    %dot_general3A_16 = arith.constant dense<0.000000e+00> : vector<512x256xf32>
    %dot_general3A_17 = tpu.matmul %add3A_9, %get3A_15, %dot_general3A_16 {dimension_numbers = #tpu.dot_dimension_numbers<[1], [0], [0], [1], [0, 0, 1, 1], [], []>, transpose_lhs_hint = false} : vector<512x256xf32>, vector<256x256xf32>, vector<512x256xf32> -> vector<512x256xf32>
    %dot_general3A_18 = arith.constant dense<0.000000e+00> : vector<512x256xf32>
    %dot_general3A_19 = tpu.matmul %dot_general3A_17, %get3A_12, %dot_general3A_18 {dimension_numbers = #tpu.dot_dimension_numbers<[1], [0], [0], [1], [0, 0, 1, 1], [], []>, transpose_lhs_hint = false} : vector<512x256xf32>, vector<256x256xf32>, vector<512x256xf32> -> vector<512x256xf32>
    %get3A_20 = arith.constant 0 : index
    %get3A_21 = arith.constant 0 : index
    %get3A_22 = vector.load %arg8[%get3A_20, %get3A_21] : memref<1x256xf32, #tpu.memory_space<vmem>>, vector<1x256xf32>
    %add3A_23 = vector.broadcast %get3A_22 : vector<1x256xf32> to vector<512x256xf32>
    %add3A_24 = arith.addf %dot_general3A_19, %add3A_23 : vector<512x256xf32>
    %swap3A = arith.constant 0 : index
    %swap3A_25 = arith.constant 0 : index
    %swap3A_26 = vector.load %arg9[%swap3A, %swap3A_25] : memref<512x256xf32, #tpu.memory_space<vmem>>, vector<512x256xf32>
    tpu.vector_store %arg9[%swap3A, %swap3A_25], %add3A_24 {strides = array<i32>} : memref<512x256xf32, #tpu.memory_space<vmem>>, vector<512x256xf32>,
    %get3A_27 = arith.constant 0 : index
    %get3A_28 = arith.constant 0 : index
    %get3A_29 = vector.load %arg5[%get3A_27, %get3A_28] : memref<256x256xf32, #tpu.memory_space<vmem>>, vector<256x256xf32>
    %dot_general3A_30 = arith.constant dense<0.000000e+00> : vector<512x256xf32>
    %dot_general3A_31 = tpu.matmul %add3A_9, %get3A_29, %dot_general3A_30 {dimension_numbers = #tpu.dot_dimension_numbers<[1], [0], [0], [1], [0, 0, 1, 1], [], []>, transpose_lhs_hint = false} : vector<512x256xf32>, vector<256x256xf32>, vector<512x256xf32> -> vector<512x256xf32>
    %dot_general3A_32 = arith.constant dense<0.000000e+00> : vector<512x256xf32>
    %dot_general3A_33 = tpu.matmul %dot_general3A_31, %get3A_12, %dot_general3A_32 {dimension_numbers = #tpu.dot_dimension_numbers<[1], [0], [0], [1], [0, 0, 1, 1], [], []>, transpose_lhs_hint = false} : vector<512x256xf32>, vector<256x256xf32>, vector<512x256xf32> -> vector<512x256xf32>
    %get3A_34 = arith.constant 0 : index
    %get3A_35 = arith.constant 0 : index
    %get3A_36 = vector.load %arg6[%get3A_34, %get3A_35] : memref<256x256xf32, #tpu.memory_space<vmem>>, vector<256x256xf32>
    %dot_general3A_37 = arith.constant dense<0.000000e+00> : vector<512x256xf32>
    %dot_general3A_38 = tpu.matmul %add3A_9, %get3A_36, %dot_general3A_37 {dimension_numbers = #tpu.dot_dimension_numbers<[1], [0], [0], [1], [0, 0, 1, 1], [], []>, transpose_lhs_hint = false} : vector<512x256xf32>, vector<256x256xf32>, vector<512x256xf32> -> vector<512x256xf32>
    %convert_element_type3A = arith.truncf %dot_general3A_33 : vector<512x256xf32> to vector<512x256xbf16>
    %convert_element_type3A_39 = arith.extf %convert_element_type3A : vector<512x256xbf16> to vector<512x256xf32>
    %bitcast_convert_type3A = tpu.bitcast %convert_element_type3A_39 : vector<512x256xf32> -> vector<512x256xi32>
    %slice3A = vector.extract_strided_slice %bitcast_convert_type3A {offsets = [0, 0], sizes = [512, 128], strides = [1, 1]} : vector<512x256xi32> to vector<512x128xi32>
    %shift_right_logical3A = arith.constant 16 : i32
    %shift_right_logical3A_40 = vector.broadcast %shift_right_logical3A : i32 to vector<512x128xi32>
    %shift_right_logical3A_41 = arith.shrui %slice3A, %shift_right_logical3A_40 : vector<512x128xi32>
    %slice3A_42 = vector.extract_strided_slice %bitcast_convert_type3A {offsets = [0, 128], sizes = [512, 128], strides = [1, 1]} : vector<512x256xi32> to vector<512x128xi32>
    %and3A = arith.constant -65536 : i32
    %and3A_43 = vector.broadcast %and3A : i32 to vector<512x128xi32>
    %and3A_44 = arith.andi %slice3A_42, %and3A_43 : vector<512x128xi32>
    %or3A = arith.ori %and3A_44, %shift_right_logical3A_41 : vector<512x128xi32>
    %swap3A_45 = arith.constant 0 : index
    %swap3A_46 = arith.constant 0 : index
    %swap3A_47 = vector.load %arg10[%swap3A_45, %swap3A_46] : memref<512x256xi32, #tpu.memory_space<vmem>>, vector<512x128xi32>
    tpu.vector_store %arg10[%swap3A_45, %swap3A_46], %or3A {strides = array<i32>} : memref<512x256xi32, #tpu.memory_space<vmem>>, vector<512x128xi32>,
    %convert_element_type3A_48 = arith.truncf %dot_general3A_38 : vector<512x256xf32> to vector<512x256xbf16>
    %convert_element_type3A_49 = arith.extf %convert_element_type3A_48 : vector<512x256xbf16> to vector<512x256xf32>
    %bitcast_convert_type3A_50 = tpu.bitcast %convert_element_type3A_49 : vector<512x256xf32> -> vector<512x256xi32>
    %slice3A_51 = vector.extract_strided_slice %bitcast_convert_type3A_50 {offsets = [0, 0], sizes = [512, 128], strides = [1, 1]} : vector<512x256xi32> to vector<512x128xi32>
    %shift_right_logical3A_52 = arith.constant 16 : i32
    %shift_right_logical3A_53 = vector.broadcast %shift_right_logical3A_52 : i32 to vector<512x128xi32>
    %shift_right_logical3A_54 = arith.shrui %slice3A_51, %shift_right_logical3A_53 : vector<512x128xi32>
    %slice3A_55 = vector.extract_strided_slice %bitcast_convert_type3A_50 {offsets = [0, 128], sizes = [512, 128], strides = [1, 1]} : vector<512x256xi32> to vector<512x128xi32>
    %and3A_56 = arith.constant -65536 : i32
    %and3A_57 = vector.broadcast %and3A_56 : i32 to vector<512x128xi32>
    %and3A_58 = arith.andi %slice3A_55, %and3A_57 : vector<512x128xi32>
    %or3A_59 = arith.ori %and3A_58, %shift_right_logical3A_54 : vector<512x128xi32>
    %swap3A_60 = arith.constant 0 : index
    %swap3A_61 = arith.constant 128 : index
    %swap3A_62 = vector.load %arg10[%swap3A_60, %swap3A_61] : memref<512x256xi32, #tpu.memory_space<vmem>>, vector<512x128xi32>
    tpu.vector_store %arg10[%swap3A_60, %swap3A_61], %or3A_59 {strides = array<i32>} : memref<512x256xi32, #tpu.memory_space<vmem>>, vector<512x128xi32>,
    return
  }
  func.func @transform_0(%arg0: i32) -> (i32, i32) {
    %c0_i32 = arith.constant 0 : i32
    %c0_i32_0 = arith.constant 0 : i32
    return %arg0, %c0_i32 : i32, i32
  }
  func.func @transform_1(%arg0: i32) -> (i32, i32) {
    %c0_i32 = arith.constant 0 : i32
    %c0_i32_0 = arith.constant 0 : i32
    %c0_i32_1 = arith.constant 0 : i32
    return %c0_i32, %c0_i32_0 : i32, i32
  }
  func.func @transform_2(%arg0: i32) -> (i32, i32) {
    %c0_i32 = arith.constant 0 : i32
    %c0_i32_0 = arith.constant 0 : i32
    %c0_i32_1 = arith.constant 0 : i32
    return %c0_i32, %c0_i32_0 : i32, i32
  }
  func.func @transform_3(%arg0: i32) -> (i32, i32) {
    %c0_i32 = arith.constant 0 : i32
    %c0_i32_0 = arith.constant 0 : i32
    %c0_i32_1 = arith.constant 0 : i32
    return %c0_i32, %c0_i32_0 : i32, i32
  }
  func.func @transform_4(%arg0: i32) -> (i32, i32) {
    %c0_i32 = arith.constant 0 : i32
    %c0_i32_0 = arith.constant 0 : i32
    %c0_i32_1 = arith.constant 0 : i32
    return %c0_i32, %c0_i32_0 : i32, i32
  }
  func.func @transform_5(%arg0: i32) -> (i32, i32) {
    %c0_i32 = arith.constant 0 : i32
    %c0_i32_0 = arith.constant 0 : i32
    %c0_i32_1 = arith.constant 0 : i32
    return %c0_i32, %c0_i32_0 : i32, i32
  }
  func.func @transform_6(%arg0: i32) -> (i32, i32) {
    %c0_i32 = arith.constant 0 : i32
    %c0_i32_0 = arith.constant 0 : i32
    %c0_i32_1 = arith.constant 0 : i32
    return %c0_i32, %c0_i32_0 : i32, i32
  }
  func.func @transform_7(%arg0: i32) -> (i32, i32) {
    %c0_i32 = arith.constant 0 : i32
    %c0_i32_0 = arith.constant 0 : i32
    %c0_i32_1 = arith.constant 0 : i32
    return %c0_i32, %c0_i32_0 : i32, i32
  }
  func.func @transform_8(%arg0: i32) -> (i32, i32) {
    %c0_i32 = arith.constant 0 : i32
    %c0_i32_0 = arith.constant 0 : i32
    return %arg0, %c0_i32 : i32, i32
  }
  func.func @transform_9(%arg0: i32) -> (i32, i32) {
    %c0_i32 = arith.constant 0 : i32
    %c0_i32_0 = arith.constant 0 : i32
    return %arg0, %c0_i32 : i32, i32
  }
}

module attributes {stable_mosaic.version = 14 : i64} {
  func.func @_topk_body(%arg0: i32, %arg1: i32, %arg2: memref<1x2048x256xf32, #tpu.memory_space<vmem>>, %arg3: memref<1x256x256xf32, #tpu.memory_space<vmem>>, %arg4: memref<1x256x16xi32, #tpu.memory_space<vmem>>) attributes {dimension_semantics = [#tpu.dimension_semantics<arbitrary>, #tpu.dimension_semantics<arbitrary>], iteration_bounds = array<i64: 2, 8>, scalar_prefetch = 0 : i64, scratch_operands = 0 : i64, tpu.core_type = #tpu.core_type<tc>, window_params = [{transform_indices = @transform_0, window_bounds = array<i64: 1, 2048, 256>}, {transform_indices = @transform_1, window_bounds = array<i64: 1, 256, 256>}, {transform_indices = @transform_2, window_bounds = array<i64: 1, 256, 16>}]} {
    %add3A = arith.constant 0 : i32
    %add3A_0 = arith.addi %arg0, %add3A : i32
    %get3A = arith.constant 0 : index
    %get3A_1 = arith.constant 0 : index
    %get3A_2 = arith.constant 0 : index
    %get3A_3 = vector.load %arg2[%get3A, %get3A_1, %get3A_2] : memref<1x2048x256xf32, #tpu.memory_space<vmem>>, vector<1x2048x256xf32>
    %get3A_4 = vector.shape_cast %get3A_3 : vector<1x2048x256xf32> to vector<2048x256xf32>
    %get3A_5 = arith.constant 0 : index
    %get3A_6 = arith.constant 0 : index
    %get3A_7 = arith.constant 0 : index
    %get3A_8 = vector.load %arg3[%get3A_5, %get3A_6, %get3A_7] : memref<1x256x256xf32, #tpu.memory_space<vmem>>, vector<1x256x256xf32>
    %get3A_9 = vector.shape_cast %get3A_8 : vector<1x256x256xf32> to vector<256x256xf32>
    %mul3A = arith.mulf %get3A_4, %get3A_4 : vector<2048x256xf32>
    %reduce_sum3A = arith.constant dense<0.000000e+00> : vector<2048xf32>
    %reduce_sum3A_10 = vector.multi_reduction <add>, %mul3A, %reduce_sum3A [1] : vector<2048x256xf32> to vector<2048xf32>
    %broadcast_in_dim3A = vector.shape_cast %reduce_sum3A_10 : vector<2048xf32> to vector<2048x1xf32>
    %convert_element_type3A = arith.truncf %get3A_9 : vector<256x256xf32> to vector<256x256xbf16>
    %convert_element_type3A_11 = arith.truncf %get3A_4 : vector<2048x256xf32> to vector<2048x256xbf16>
    %dot_general3A = arith.constant dense<0.000000e+00> : vector<256x2048xf32>
    %dot_general3A_12 = tpu.matmul %convert_element_type3A, %convert_element_type3A_11, %dot_general3A {dimension_numbers = #tpu.dot_dimension_numbers<[1], [1], [0], [0], [0, 0, 1, 0], [], []>, transpose_lhs_hint = false} : vector<256x256xbf16>, vector<2048x256xbf16>, vector<256x2048xf32> -> vector<256x2048xf32>
    %mul3A_13 = arith.constant -2.000000e+00 : f32
    %mul3A_14 = vector.broadcast %mul3A_13 : f32 to vector<256x2048xf32>
    %mul3A_15 = arith.mulf %mul3A_14, %dot_general3A_12 : vector<256x2048xf32>
    %transpose3A = tpu.transpose %broadcast_in_dim3A, [1, 0] : vector<2048x1xf32> -> vector<1x2048xf32>
    %add3A_16 = vector.broadcast %transpose3A : vector<1x2048xf32> to vector<256x2048xf32>
    %add3A_17 = arith.addf %mul3A_15, %add3A_16 : vector<256x2048xf32>
    %iota3A = tpu.iota {dimensions = array<i32: 1>} : vector<256x2048xi32>
    %iota3A_18 = tpu.iota {dimensions = array<i32: 0>} : vector<256x1xi32>
    %mul3A_19 = arith.constant 256 : i32
    %mul3A_20 = arith.muli %arg1, %mul3A_19 : i32
    %add3A_21 = vector.broadcast %mul3A_20 : i32 to vector<256x1xi32>
    %add3A_22 = arith.addi %iota3A_18, %add3A_21 : vector<256x1xi32>
    %eq3A = vector.broadcast %add3A_22 : vector<256x1xi32> to vector<256x2048xi32>
    %eq3A_23 = arith.cmpi eq, %iota3A, %eq3A : vector<256x2048xi32>
    %jit3A = arith.constant 0x7F800000 : f32
    %broadcast_in_dim3A_24 = vector.broadcast %jit3A : f32 to vector<256x2048xf32>
    %select_n3A = arith.select %eq3A_23, %broadcast_in_dim3A_24, %add3A_17 : vector<256x2048xi1>, vector<256x2048xf32>
    %reduce_min3A = arith.constant dense<0x7F800000> : vector<256xf32>
    %reduce_min3A_25 = vector.multi_reduction <minimumf>, %select_n3A, %reduce_min3A [1] : vector<256x2048xf32> to vector<256xf32>
    %broadcast_in_dim3A_26 = vector.shape_cast %reduce_min3A_25 : vector<256xf32> to vector<256x1xf32>
    %eq3A_27 = vector.broadcast %broadcast_in_dim3A_26 : vector<256x1xf32> to vector<256x2048xf32>
    %eq3A_28 = arith.cmpf oeq, %select_n3A, %eq3A_27 : vector<256x2048xf32>
    %jit3A_29 = arith.constant 2048 : i32
    %broadcast_in_dim3A_30 = vector.broadcast %jit3A_29 : i32 to vector<256x2048xi32>
    %select_n3A_31 = arith.select %eq3A_28, %iota3A, %broadcast_in_dim3A_30 : vector<256x2048xi1>, vector<256x2048xi32>
    %reduce_min3A_32 = arith.constant dense<2147483647> : vector<256xi32>
    %reduce_min3A_33 = vector.multi_reduction <minsi>, %select_n3A_31, %reduce_min3A_32 [1] : vector<256x2048xi32> to vector<256xi32>
    %broadcast_in_dim3A_34 = vector.shape_cast %reduce_min3A_33 : vector<256xi32> to vector<256x1xi32>
    %jit3A_35 = arith.constant 0x7F800000 : f32
    %broadcast_in_dim3A_36 = vector.broadcast %jit3A_35 : f32 to vector<256x2048xf32>
    %select_n3A_37 = arith.select %eq3A_28, %broadcast_in_dim3A_36, %select_n3A : vector<256x2048xi1>, vector<256x2048xf32>
    %reduce_min3A_38 = arith.constant dense<0x7F800000> : vector<256xf32>
    %reduce_min3A_39 = vector.multi_reduction <minimumf>, %select_n3A_37, %reduce_min3A_38 [1] : vector<256x2048xf32> to vector<256xf32>
    %broadcast_in_dim3A_40 = vector.shape_cast %reduce_min3A_39 : vector<256xf32> to vector<256x1xf32>
    %eq3A_41 = vector.broadcast %broadcast_in_dim3A_40 : vector<256x1xf32> to vector<256x2048xf32>
    %eq3A_42 = arith.cmpf oeq, %select_n3A_37, %eq3A_41 : vector<256x2048xf32>
    %jit3A_43 = arith.constant 2048 : i32
    %broadcast_in_dim3A_44 = vector.broadcast %jit3A_43 : i32 to vector<256x2048xi32>
    %select_n3A_45 = arith.select %eq3A_42, %iota3A, %broadcast_in_dim3A_44 : vector<256x2048xi1>, vector<256x2048xi32>
    %reduce_min3A_46 = arith.constant dense<2147483647> : vector<256xi32>
    %reduce_min3A_47 = vector.multi_reduction <minsi>, %select_n3A_45, %reduce_min3A_46 [1] : vector<256x2048xi32> to vector<256xi32>
    %broadcast_in_dim3A_48 = vector.shape_cast %reduce_min3A_47 : vector<256xi32> to vector<256x1xi32>
    %jit3A_49 = arith.constant 0x7F800000 : f32
    %broadcast_in_dim3A_50 = vector.broadcast %jit3A_49 : f32 to vector<256x2048xf32>
    %select_n3A_51 = arith.select %eq3A_42, %broadcast_in_dim3A_50, %select_n3A_37 : vector<256x2048xi1>, vector<256x2048xf32>
    %reduce_min3A_52 = arith.constant dense<0x7F800000> : vector<256xf32>
    %reduce_min3A_53 = vector.multi_reduction <minimumf>, %select_n3A_51, %reduce_min3A_52 [1] : vector<256x2048xf32> to vector<256xf32>
    %broadcast_in_dim3A_54 = vector.shape_cast %reduce_min3A_53 : vector<256xf32> to vector<256x1xf32>
    %eq3A_55 = vector.broadcast %broadcast_in_dim3A_54 : vector<256x1xf32> to vector<256x2048xf32>
    %eq3A_56 = arith.cmpf oeq, %select_n3A_51, %eq3A_55 : vector<256x2048xf32>
    %jit3A_57 = arith.constant 2048 : i32
    %broadcast_in_dim3A_58 = vector.broadcast %jit3A_57 : i32 to vector<256x2048xi32>
    %select_n3A_59 = arith.select %eq3A_56, %iota3A, %broadcast_in_dim3A_58 : vector<256x2048xi1>, vector<256x2048xi32>
    %reduce_min3A_60 = arith.constant dense<2147483647> : vector<256xi32>
    %reduce_min3A_61 = vector.multi_reduction <minsi>, %select_n3A_59, %reduce_min3A_60 [1] : vector<256x2048xi32> to vector<256xi32>
    %broadcast_in_dim3A_62 = vector.shape_cast %reduce_min3A_61 : vector<256xi32> to vector<256x1xi32>
    %jit3A_63 = arith.constant 0x7F800000 : f32
    %broadcast_in_dim3A_64 = vector.broadcast %jit3A_63 : f32 to vector<256x2048xf32>
    %select_n3A_65 = arith.select %eq3A_56, %broadcast_in_dim3A_64, %select_n3A_51 : vector<256x2048xi1>, vector<256x2048xf32>
    %reduce_min3A_66 = arith.constant dense<0x7F800000> : vector<256xf32>
    %reduce_min3A_67 = vector.multi_reduction <minimumf>, %select_n3A_65, %reduce_min3A_66 [1] : vector<256x2048xf32> to vector<256xf32>
    %broadcast_in_dim3A_68 = vector.shape_cast %reduce_min3A_67 : vector<256xf32> to vector<256x1xf32>
    %eq3A_69 = vector.broadcast %broadcast_in_dim3A_68 : vector<256x1xf32> to vector<256x2048xf32>
    %eq3A_70 = arith.cmpf oeq, %select_n3A_65, %eq3A_69 : vector<256x2048xf32>
    %jit3A_71 = arith.constant 2048 : i32
    %broadcast_in_dim3A_72 = vector.broadcast %jit3A_71 : i32 to vector<256x2048xi32>
    %select_n3A_73 = arith.select %eq3A_70, %iota3A, %broadcast_in_dim3A_72 : vector<256x2048xi1>, vector<256x2048xi32>
    %reduce_min3A_74 = arith.constant dense<2147483647> : vector<256xi32>
    %reduce_min3A_75 = vector.multi_reduction <minsi>, %select_n3A_73, %reduce_min3A_74 [1] : vector<256x2048xi32> to vector<256xi32>
    %broadcast_in_dim3A_76 = vector.shape_cast %reduce_min3A_75 : vector<256xi32> to vector<256x1xi32>
    %jit3A_77 = arith.constant 0x7F800000 : f32
    %broadcast_in_dim3A_78 = vector.broadcast %jit3A_77 : f32 to vector<256x2048xf32>
    %select_n3A_79 = arith.select %eq3A_70, %broadcast_in_dim3A_78, %select_n3A_65 : vector<256x2048xi1>, vector<256x2048xf32>
    %reduce_min3A_80 = arith.constant dense<0x7F800000> : vector<256xf32>
    %reduce_min3A_81 = vector.multi_reduction <minimumf>, %select_n3A_79, %reduce_min3A_80 [1] : vector<256x2048xf32> to vector<256xf32>
    %broadcast_in_dim3A_82 = vector.shape_cast %reduce_min3A_81 : vector<256xf32> to vector<256x1xf32>
    %eq3A_83 = vector.broadcast %broadcast_in_dim3A_82 : vector<256x1xf32> to vector<256x2048xf32>
    %eq3A_84 = arith.cmpf oeq, %select_n3A_79, %eq3A_83 : vector<256x2048xf32>
    %jit3A_85 = arith.constant 2048 : i32
    %broadcast_in_dim3A_86 = vector.broadcast %jit3A_85 : i32 to vector<256x2048xi32>
    %select_n3A_87 = arith.select %eq3A_84, %iota3A, %broadcast_in_dim3A_86 : vector<256x2048xi1>, vector<256x2048xi32>
    %reduce_min3A_88 = arith.constant dense<2147483647> : vector<256xi32>
    %reduce_min3A_89 = vector.multi_reduction <minsi>, %select_n3A_87, %reduce_min3A_88 [1] : vector<256x2048xi32> to vector<256xi32>
    %broadcast_in_dim3A_90 = vector.shape_cast %reduce_min3A_89 : vector<256xi32> to vector<256x1xi32>
    %jit3A_91 = arith.constant 0x7F800000 : f32
    %broadcast_in_dim3A_92 = vector.broadcast %jit3A_91 : f32 to vector<256x2048xf32>
    %select_n3A_93 = arith.select %eq3A_84, %broadcast_in_dim3A_92, %select_n3A_79 : vector<256x2048xi1>, vector<256x2048xf32>
    %reduce_min3A_94 = arith.constant dense<0x7F800000> : vector<256xf32>
    %reduce_min3A_95 = vector.multi_reduction <minimumf>, %select_n3A_93, %reduce_min3A_94 [1] : vector<256x2048xf32> to vector<256xf32>
    %broadcast_in_dim3A_96 = vector.shape_cast %reduce_min3A_95 : vector<256xf32> to vector<256x1xf32>
    %eq3A_97 = vector.broadcast %broadcast_in_dim3A_96 : vector<256x1xf32> to vector<256x2048xf32>
    %eq3A_98 = arith.cmpf oeq, %select_n3A_93, %eq3A_97 : vector<256x2048xf32>
    %jit3A_99 = arith.constant 2048 : i32
    %broadcast_in_dim3A_100 = vector.broadcast %jit3A_99 : i32 to vector<256x2048xi32>
    %select_n3A_101 = arith.select %eq3A_98, %iota3A, %broadcast_in_dim3A_100 : vector<256x2048xi1>, vector<256x2048xi32>
    %reduce_min3A_102 = arith.constant dense<2147483647> : vector<256xi32>
    %reduce_min3A_103 = vector.multi_reduction <minsi>, %select_n3A_101, %reduce_min3A_102 [1] : vector<256x2048xi32> to vector<256xi32>
    %broadcast_in_dim3A_104 = vector.shape_cast %reduce_min3A_103 : vector<256xi32> to vector<256x1xi32>
    %jit3A_105 = arith.constant 0x7F800000 : f32
    %broadcast_in_dim3A_106 = vector.broadcast %jit3A_105 : f32 to vector<256x2048xf32>
    %select_n3A_107 = arith.select %eq3A_98, %broadcast_in_dim3A_106, %select_n3A_93 : vector<256x2048xi1>, vector<256x2048xf32>
    %reduce_min3A_108 = arith.constant dense<0x7F800000> : vector<256xf32>
    %reduce_min3A_109 = vector.multi_reduction <minimumf>, %select_n3A_107, %reduce_min3A_108 [1] : vector<256x2048xf32> to vector<256xf32>
    %broadcast_in_dim3A_110 = vector.shape_cast %reduce_min3A_109 : vector<256xf32> to vector<256x1xf32>
    %eq3A_111 = vector.broadcast %broadcast_in_dim3A_110 : vector<256x1xf32> to vector<256x2048xf32>
    %eq3A_112 = arith.cmpf oeq, %select_n3A_107, %eq3A_111 : vector<256x2048xf32>
    %jit3A_113 = arith.constant 2048 : i32
    %broadcast_in_dim3A_114 = vector.broadcast %jit3A_113 : i32 to vector<256x2048xi32>
    %select_n3A_115 = arith.select %eq3A_112, %iota3A, %broadcast_in_dim3A_114 : vector<256x2048xi1>, vector<256x2048xi32>
    %reduce_min3A_116 = arith.constant dense<2147483647> : vector<256xi32>
    %reduce_min3A_117 = vector.multi_reduction <minsi>, %select_n3A_115, %reduce_min3A_116 [1] : vector<256x2048xi32> to vector<256xi32>
    %broadcast_in_dim3A_118 = vector.shape_cast %reduce_min3A_117 : vector<256xi32> to vector<256x1xi32>
    %jit3A_119 = arith.constant 0x7F800000 : f32
    %broadcast_in_dim3A_120 = vector.broadcast %jit3A_119 : f32 to vector<256x2048xf32>
    %select_n3A_121 = arith.select %eq3A_112, %broadcast_in_dim3A_120, %select_n3A_107 : vector<256x2048xi1>, vector<256x2048xf32>
    %reduce_min3A_122 = arith.constant dense<0x7F800000> : vector<256xf32>
    %reduce_min3A_123 = vector.multi_reduction <minimumf>, %select_n3A_121, %reduce_min3A_122 [1] : vector<256x2048xf32> to vector<256xf32>
    %broadcast_in_dim3A_124 = vector.shape_cast %reduce_min3A_123 : vector<256xf32> to vector<256x1xf32>
    %eq3A_125 = vector.broadcast %broadcast_in_dim3A_124 : vector<256x1xf32> to vector<256x2048xf32>
    %eq3A_126 = arith.cmpf oeq, %select_n3A_121, %eq3A_125 : vector<256x2048xf32>
    %jit3A_127 = arith.constant 2048 : i32
    %broadcast_in_dim3A_128 = vector.broadcast %jit3A_127 : i32 to vector<256x2048xi32>
    %select_n3A_129 = arith.select %eq3A_126, %iota3A, %broadcast_in_dim3A_128 : vector<256x2048xi1>, vector<256x2048xi32>
    %reduce_min3A_130 = arith.constant dense<2147483647> : vector<256xi32>
    %reduce_min3A_131 = vector.multi_reduction <minsi>, %select_n3A_129, %reduce_min3A_130 [1] : vector<256x2048xi32> to vector<256xi32>
    %broadcast_in_dim3A_132 = vector.shape_cast %reduce_min3A_131 : vector<256xi32> to vector<256x1xi32>
    %jit3A_133 = arith.constant 0x7F800000 : f32
    %broadcast_in_dim3A_134 = vector.broadcast %jit3A_133 : f32 to vector<256x2048xf32>
    %select_n3A_135 = arith.select %eq3A_126, %broadcast_in_dim3A_134, %select_n3A_121 : vector<256x2048xi1>, vector<256x2048xf32>
    %reduce_min3A_136 = arith.constant dense<0x7F800000> : vector<256xf32>
    %reduce_min3A_137 = vector.multi_reduction <minimumf>, %select_n3A_135, %reduce_min3A_136 [1] : vector<256x2048xf32> to vector<256xf32>
    %broadcast_in_dim3A_138 = vector.shape_cast %reduce_min3A_137 : vector<256xf32> to vector<256x1xf32>
    %eq3A_139 = vector.broadcast %broadcast_in_dim3A_138 : vector<256x1xf32> to vector<256x2048xf32>
    %eq3A_140 = arith.cmpf oeq, %select_n3A_135, %eq3A_139 : vector<256x2048xf32>
    %jit3A_141 = arith.constant 2048 : i32
    %broadcast_in_dim3A_142 = vector.broadcast %jit3A_141 : i32 to vector<256x2048xi32>
    %select_n3A_143 = arith.select %eq3A_140, %iota3A, %broadcast_in_dim3A_142 : vector<256x2048xi1>, vector<256x2048xi32>
    %reduce_min3A_144 = arith.constant dense<2147483647> : vector<256xi32>
    %reduce_min3A_145 = vector.multi_reduction <minsi>, %select_n3A_143, %reduce_min3A_144 [1] : vector<256x2048xi32> to vector<256xi32>
    %broadcast_in_dim3A_146 = vector.shape_cast %reduce_min3A_145 : vector<256xi32> to vector<256x1xi32>
    %jit3A_147 = arith.constant 0x7F800000 : f32
    %broadcast_in_dim3A_148 = vector.broadcast %jit3A_147 : f32 to vector<256x2048xf32>
    %select_n3A_149 = arith.select %eq3A_140, %broadcast_in_dim3A_148, %select_n3A_135 : vector<256x2048xi1>, vector<256x2048xf32>
    %reduce_min3A_150 = arith.constant dense<0x7F800000> : vector<256xf32>
    %reduce_min3A_151 = vector.multi_reduction <minimumf>, %select_n3A_149, %reduce_min3A_150 [1] : vector<256x2048xf32> to vector<256xf32>
    %broadcast_in_dim3A_152 = vector.shape_cast %reduce_min3A_151 : vector<256xf32> to vector<256x1xf32>
    %eq3A_153 = vector.broadcast %broadcast_in_dim3A_152 : vector<256x1xf32> to vector<256x2048xf32>
    %eq3A_154 = arith.cmpf oeq, %select_n3A_149, %eq3A_153 : vector<256x2048xf32>
    %jit3A_155 = arith.constant 2048 : i32
    %broadcast_in_dim3A_156 = vector.broadcast %jit3A_155 : i32 to vector<256x2048xi32>
    %select_n3A_157 = arith.select %eq3A_154, %iota3A, %broadcast_in_dim3A_156 : vector<256x2048xi1>, vector<256x2048xi32>
    %reduce_min3A_158 = arith.constant dense<2147483647> : vector<256xi32>
    %reduce_min3A_159 = vector.multi_reduction <minsi>, %select_n3A_157, %reduce_min3A_158 [1] : vector<256x2048xi32> to vector<256xi32>
    %broadcast_in_dim3A_160 = vector.shape_cast %reduce_min3A_159 : vector<256xi32> to vector<256x1xi32>
    %jit3A_161 = arith.constant 0x7F800000 : f32
    %broadcast_in_dim3A_162 = vector.broadcast %jit3A_161 : f32 to vector<256x2048xf32>
    %select_n3A_163 = arith.select %eq3A_154, %broadcast_in_dim3A_162, %select_n3A_149 : vector<256x2048xi1>, vector<256x2048xf32>
    %reduce_min3A_164 = arith.constant dense<0x7F800000> : vector<256xf32>
    %reduce_min3A_165 = vector.multi_reduction <minimumf>, %select_n3A_163, %reduce_min3A_164 [1] : vector<256x2048xf32> to vector<256xf32>
    %broadcast_in_dim3A_166 = vector.shape_cast %reduce_min3A_165 : vector<256xf32> to vector<256x1xf32>
    %eq3A_167 = vector.broadcast %broadcast_in_dim3A_166 : vector<256x1xf32> to vector<256x2048xf32>
    %eq3A_168 = arith.cmpf oeq, %select_n3A_163, %eq3A_167 : vector<256x2048xf32>
    %jit3A_169 = arith.constant 2048 : i32
    %broadcast_in_dim3A_170 = vector.broadcast %jit3A_169 : i32 to vector<256x2048xi32>
    %select_n3A_171 = arith.select %eq3A_168, %iota3A, %broadcast_in_dim3A_170 : vector<256x2048xi1>, vector<256x2048xi32>
    %reduce_min3A_172 = arith.constant dense<2147483647> : vector<256xi32>
    %reduce_min3A_173 = vector.multi_reduction <minsi>, %select_n3A_171, %reduce_min3A_172 [1] : vector<256x2048xi32> to vector<256xi32>
    %broadcast_in_dim3A_174 = vector.shape_cast %reduce_min3A_173 : vector<256xi32> to vector<256x1xi32>
    %jit3A_175 = arith.constant 0x7F800000 : f32
    %broadcast_in_dim3A_176 = vector.broadcast %jit3A_175 : f32 to vector<256x2048xf32>
    %select_n3A_177 = arith.select %eq3A_168, %broadcast_in_dim3A_176, %select_n3A_163 : vector<256x2048xi1>, vector<256x2048xf32>
    %reduce_min3A_178 = arith.constant dense<0x7F800000> : vector<256xf32>
    %reduce_min3A_179 = vector.multi_reduction <minimumf>, %select_n3A_177, %reduce_min3A_178 [1] : vector<256x2048xf32> to vector<256xf32>
    %broadcast_in_dim3A_180 = vector.shape_cast %reduce_min3A_179 : vector<256xf32> to vector<256x1xf32>
    %eq3A_181 = vector.broadcast %broadcast_in_dim3A_180 : vector<256x1xf32> to vector<256x2048xf32>
    %eq3A_182 = arith.cmpf oeq, %select_n3A_177, %eq3A_181 : vector<256x2048xf32>
    %jit3A_183 = arith.constant 2048 : i32
    %broadcast_in_dim3A_184 = vector.broadcast %jit3A_183 : i32 to vector<256x2048xi32>
    %select_n3A_185 = arith.select %eq3A_182, %iota3A, %broadcast_in_dim3A_184 : vector<256x2048xi1>, vector<256x2048xi32>
    %reduce_min3A_186 = arith.constant dense<2147483647> : vector<256xi32>
    %reduce_min3A_187 = vector.multi_reduction <minsi>, %select_n3A_185, %reduce_min3A_186 [1] : vector<256x2048xi32> to vector<256xi32>
    %broadcast_in_dim3A_188 = vector.shape_cast %reduce_min3A_187 : vector<256xi32> to vector<256x1xi32>
    %jit3A_189 = arith.constant 0x7F800000 : f32
    %broadcast_in_dim3A_190 = vector.broadcast %jit3A_189 : f32 to vector<256x2048xf32>
    %select_n3A_191 = arith.select %eq3A_182, %broadcast_in_dim3A_190, %select_n3A_177 : vector<256x2048xi1>, vector<256x2048xf32>
    %reduce_min3A_192 = arith.constant dense<0x7F800000> : vector<256xf32>
    %reduce_min3A_193 = vector.multi_reduction <minimumf>, %select_n3A_191, %reduce_min3A_192 [1] : vector<256x2048xf32> to vector<256xf32>
    %broadcast_in_dim3A_194 = vector.shape_cast %reduce_min3A_193 : vector<256xf32> to vector<256x1xf32>
    %eq3A_195 = vector.broadcast %broadcast_in_dim3A_194 : vector<256x1xf32> to vector<256x2048xf32>
    %eq3A_196 = arith.cmpf oeq, %select_n3A_191, %eq3A_195 : vector<256x2048xf32>
    %jit3A_197 = arith.constant 2048 : i32
    %broadcast_in_dim3A_198 = vector.broadcast %jit3A_197 : i32 to vector<256x2048xi32>
    %select_n3A_199 = arith.select %eq3A_196, %iota3A, %broadcast_in_dim3A_198 : vector<256x2048xi1>, vector<256x2048xi32>
    %reduce_min3A_200 = arith.constant dense<2147483647> : vector<256xi32>
    %reduce_min3A_201 = vector.multi_reduction <minsi>, %select_n3A_199, %reduce_min3A_200 [1] : vector<256x2048xi32> to vector<256xi32>
    %broadcast_in_dim3A_202 = vector.shape_cast %reduce_min3A_201 : vector<256xi32> to vector<256x1xi32>
    %jit3A_203 = arith.constant 0x7F800000 : f32
    %broadcast_in_dim3A_204 = vector.broadcast %jit3A_203 : f32 to vector<256x2048xf32>
    %select_n3A_205 = arith.select %eq3A_196, %broadcast_in_dim3A_204, %select_n3A_191 : vector<256x2048xi1>, vector<256x2048xf32>
    %reduce_min3A_206 = arith.constant dense<0x7F800000> : vector<256xf32>
    %reduce_min3A_207 = vector.multi_reduction <minimumf>, %select_n3A_205, %reduce_min3A_206 [1] : vector<256x2048xf32> to vector<256xf32>
    %broadcast_in_dim3A_208 = vector.shape_cast %reduce_min3A_207 : vector<256xf32> to vector<256x1xf32>
    %eq3A_209 = vector.broadcast %broadcast_in_dim3A_208 : vector<256x1xf32> to vector<256x2048xf32>
    %eq3A_210 = arith.cmpf oeq, %select_n3A_205, %eq3A_209 : vector<256x2048xf32>
    %jit3A_211 = arith.constant 2048 : i32
    %broadcast_in_dim3A_212 = vector.broadcast %jit3A_211 : i32 to vector<256x2048xi32>
    %select_n3A_213 = arith.select %eq3A_210, %iota3A, %broadcast_in_dim3A_212 : vector<256x2048xi1>, vector<256x2048xi32>
    %reduce_min3A_214 = arith.constant dense<2147483647> : vector<256xi32>
    %reduce_min3A_215 = vector.multi_reduction <minsi>, %select_n3A_213, %reduce_min3A_214 [1] : vector<256x2048xi32> to vector<256xi32>
    %broadcast_in_dim3A_216 = vector.shape_cast %reduce_min3A_215 : vector<256xi32> to vector<256x1xi32>
    %jit3A_217 = arith.constant 0x7F800000 : f32
    %broadcast_in_dim3A_218 = vector.broadcast %jit3A_217 : f32 to vector<256x2048xf32>
    %select_n3A_219 = arith.select %eq3A_210, %broadcast_in_dim3A_218, %select_n3A_205 : vector<256x2048xi1>, vector<256x2048xf32>
    %reduce_min3A_220 = arith.constant dense<0x7F800000> : vector<256xf32>
    %reduce_min3A_221 = vector.multi_reduction <minimumf>, %select_n3A_219, %reduce_min3A_220 [1] : vector<256x2048xf32> to vector<256xf32>
    %broadcast_in_dim3A_222 = vector.shape_cast %reduce_min3A_221 : vector<256xf32> to vector<256x1xf32>
    %eq3A_223 = vector.broadcast %broadcast_in_dim3A_222 : vector<256x1xf32> to vector<256x2048xf32>
    %eq3A_224 = arith.cmpf oeq, %select_n3A_219, %eq3A_223 : vector<256x2048xf32>
    %jit3A_225 = arith.constant 2048 : i32
    %broadcast_in_dim3A_226 = vector.broadcast %jit3A_225 : i32 to vector<256x2048xi32>
    %select_n3A_227 = arith.select %eq3A_224, %iota3A, %broadcast_in_dim3A_226 : vector<256x2048xi1>, vector<256x2048xi32>
    %reduce_min3A_228 = arith.constant dense<2147483647> : vector<256xi32>
    %reduce_min3A_229 = vector.multi_reduction <minsi>, %select_n3A_227, %reduce_min3A_228 [1] : vector<256x2048xi32> to vector<256xi32>
    %broadcast_in_dim3A_230 = vector.shape_cast %reduce_min3A_229 : vector<256xi32> to vector<256x1xi32>
    %concatenate3A = tpu.concatenate %add3A_22, %broadcast_in_dim3A_34, %broadcast_in_dim3A_48, %broadcast_in_dim3A_62, %broadcast_in_dim3A_76, %broadcast_in_dim3A_90, %broadcast_in_dim3A_104, %broadcast_in_dim3A_118, %broadcast_in_dim3A_132, %broadcast_in_dim3A_146, %broadcast_in_dim3A_160, %broadcast_in_dim3A_174, %broadcast_in_dim3A_188, %broadcast_in_dim3A_202, %broadcast_in_dim3A_216, %broadcast_in_dim3A_230 in 1 : vector<256x1xi32>, vector<256x1xi32>, vector<256x1xi32>, vector<256x1xi32>, vector<256x1xi32>, vector<256x1xi32>, vector<256x1xi32>, vector<256x1xi32>, vector<256x1xi32>, vector<256x1xi32>, vector<256x1xi32>, vector<256x1xi32>, vector<256x1xi32>, vector<256x1xi32>, vector<256x1xi32>, vector<256x1xi32> -> vector<256x16xi32>
    %mul3A_231 = arith.constant 2048 : i32
    %mul3A_232 = arith.muli %add3A_0, %mul3A_231 : i32
    %add3A_233 = vector.broadcast %mul3A_232 : i32 to vector<256x16xi32>
    %add3A_234 = arith.addi %concatenate3A, %add3A_233 : vector<256x16xi32>
    %swap3A = arith.constant 0 : index
    %swap3A_235 = arith.constant 0 : index
    %swap3A_236 = arith.constant 0 : index
    %swap3A_237 = vector.load %arg4[%swap3A, %swap3A_235, %swap3A_236] : memref<1x256x16xi32, #tpu.memory_space<vmem>>, vector<1x256x16xi32>
    %swap3A_238 = vector.shape_cast %swap3A_237 : vector<1x256x16xi32> to vector<256x16xi32>
    %swap3A_239 = vector.shape_cast %add3A_234 : vector<256x16xi32> to vector<1x256x16xi32>
    tpu.vector_store %arg4[%swap3A, %swap3A_235, %swap3A_236], %swap3A_239 {strides = array<i32>} : memref<1x256x16xi32, #tpu.memory_space<vmem>>, vector<1x256x16xi32>,
    return
  }
  func.func @transform_0(%arg0: i32, %arg1: i32) -> (i32, i32, i32) {
    %c0_i32 = arith.constant 0 : i32
    %c0_i32_0 = arith.constant 0 : i32
    %c0_i32_1 = arith.constant 0 : i32
    return %arg0, %c0_i32, %c0_i32_0 : i32, i32, i32
  }
  func.func @transform_1(%arg0: i32, %arg1: i32) -> (i32, i32, i32) {
    %c0_i32 = arith.constant 0 : i32
    %c0_i32_0 = arith.constant 0 : i32
    return %arg0, %arg1, %c0_i32 : i32, i32, i32
  }
  func.func @transform_2(%arg0: i32, %arg1: i32) -> (i32, i32, i32) {
    %c0_i32 = arith.constant 0 : i32
    %c0_i32_0 = arith.constant 0 : i32
    return %arg0, %arg1, %c0_i32 : i32, i32, i32
  }
}

module attributes {stable_mosaic.version = 14 : i64} {
  func.func @_attn_body(%arg0: i32, %arg1: memref<128x256xf32, #tpu.memory_space<vmem>>, %arg2: memref<2048x256xi32, #tpu.memory_space<vmem>>, %arg3: memref<128x256xf32, #tpu.memory_space<vmem>>, %arg4: memref<256x256xbf16, #tpu.memory_space<vmem>>, %arg5: memref<1x256xf32, #tpu.memory_space<vmem>>, %arg6: memref<256x256xbf16, #tpu.memory_space<vmem>>, %arg7: memref<1x256xf32, #tpu.memory_space<vmem>>, %arg8: memref<128x256xf32, #tpu.memory_space<vmem>>) attributes {dimension_semantics = [#tpu.dimension_semantics<arbitrary>], iteration_bounds = array<i64: 32>, scalar_prefetch = 0 : i64, scratch_operands = 0 : i64, tpu.core_type = #tpu.core_type<tc>, window_params = [{transform_indices = @transform_0, window_bounds = array<i64: 128, 256>}, {transform_indices = @transform_1, window_bounds = array<i64: 2048, 256>}, {transform_indices = @transform_2, window_bounds = array<i64: 128, 256>}, {pipeline_mode = #tpu.pipeline_mode<synchronous>, transform_indices = @transform_3, window_bounds = array<i64: 256, 256>}, {pipeline_mode = #tpu.pipeline_mode<synchronous>, transform_indices = @transform_4, window_bounds = array<i64: 1, 256>}, {pipeline_mode = #tpu.pipeline_mode<synchronous>, transform_indices = @transform_5, window_bounds = array<i64: 256, 256>}, {pipeline_mode = #tpu.pipeline_mode<synchronous>, transform_indices = @transform_6, window_bounds = array<i64: 1, 256>}, {transform_indices = @transform_7, window_bounds = array<i64: 128, 256>}]} {
    %get3A = arith.constant 0 : index
    %get3A_0 = arith.constant 0 : index
    %get3A_1 = vector.load %arg1[%get3A, %get3A_0] : memref<128x256xf32, #tpu.memory_space<vmem>>, vector<128x256xf32>
    %get3A_2 = arith.constant 0 : index
    %get3A_3 = arith.constant 0 : index
    %get3A_4 = vector.load %arg2[%get3A_2, %get3A_3] : memref<2048x256xi32, #tpu.memory_space<vmem>>, vector<2048x128xi32>
    %shift_left3A = arith.constant 16 : i32
    %shift_left3A_5 = vector.broadcast %shift_left3A : i32 to vector<2048x128xi32>
    %shift_left3A_6 = arith.shli %get3A_4, %shift_left3A_5 : vector<2048x128xi32>
    %bitcast_convert_type3A = tpu.bitcast %shift_left3A_6 : vector<2048x128xi32> -> vector<2048x128xf32>
    %and3A = arith.constant -65536 : i32
    %and3A_7 = vector.broadcast %and3A : i32 to vector<2048x128xi32>
    %and3A_8 = arith.andi %get3A_4, %and3A_7 : vector<2048x128xi32>
    %bitcast_convert_type3A_9 = tpu.bitcast %and3A_8 : vector<2048x128xi32> -> vector<2048x128xf32>
    %concatenate3A = tpu.concatenate %bitcast_convert_type3A, %bitcast_convert_type3A_9 in 1 : vector<2048x128xf32>, vector<2048x128xf32> -> vector<2048x256xf32>
    %reshape3A = vector.shape_cast %concatenate3A : vector<2048x256xf32> to vector<128x16x256xf32>
    %get3A_10 = arith.constant 0 : index
    %get3A_11 = arith.constant 128 : index
    %get3A_12 = vector.load %arg2[%get3A_10, %get3A_11] : memref<2048x256xi32, #tpu.memory_space<vmem>>, vector<2048x128xi32>
    %shift_left3A_13 = arith.constant 16 : i32
    %shift_left3A_14 = vector.broadcast %shift_left3A_13 : i32 to vector<2048x128xi32>
    %shift_left3A_15 = arith.shli %get3A_12, %shift_left3A_14 : vector<2048x128xi32>
    %bitcast_convert_type3A_16 = tpu.bitcast %shift_left3A_15 : vector<2048x128xi32> -> vector<2048x128xf32>
    %and3A_17 = arith.constant -65536 : i32
    %and3A_18 = vector.broadcast %and3A_17 : i32 to vector<2048x128xi32>
    %and3A_19 = arith.andi %get3A_12, %and3A_18 : vector<2048x128xi32>
    %bitcast_convert_type3A_20 = tpu.bitcast %and3A_19 : vector<2048x128xi32> -> vector<2048x128xf32>
    %concatenate3A_21 = tpu.concatenate %bitcast_convert_type3A_16, %bitcast_convert_type3A_20 in 1 : vector<2048x128xf32>, vector<2048x128xf32> -> vector<2048x256xf32>
    %reshape3A_22 = vector.shape_cast %concatenate3A_21 : vector<2048x256xf32> to vector<128x16x256xf32>
    %broadcast_in_dim3A = vector.shape_cast %get3A_1 : vector<128x256xf32> to vector<128x1x256xf32>
    %sub3A = vector.broadcast %broadcast_in_dim3A : vector<128x1x256xf32> to vector<128x16x256xf32>
    %sub3A_23 = arith.subf %sub3A, %reshape3A : vector<128x16x256xf32>
    %max3A = arith.constant 0.000000e+00 : f32
    %max3A_24 = vector.broadcast %max3A : f32 to vector<128x16x256xf32>
    %max3A_25 = arith.maximumf %sub3A_23, %max3A_24 : vector<128x16x256xf32>
    %reshape3A_26 = vector.shape_cast %max3A_25 : vector<128x16x256xf32> to vector<2048x256xf32>
    %convert_element_type3A = arith.truncf %reshape3A_26 : vector<2048x256xf32> to vector<2048x256xbf16>
    %get3A_27 = arith.constant 0 : index
    %get3A_28 = arith.constant 0 : index
    %get3A_29 = vector.load %arg4[%get3A_27, %get3A_28] : memref<256x256xbf16, #tpu.memory_space<vmem>>, vector<256x256xbf16>
    %dot_general3A = arith.constant dense<0.000000e+00> : vector<2048x256xf32>
    %dot_general3A_30 = tpu.matmul %convert_element_type3A, %get3A_29, %dot_general3A {dimension_numbers = #tpu.dot_dimension_numbers<[1], [0], [0], [1], [0, 0, 1, 1], [], []>, transpose_lhs_hint = false} : vector<2048x256xbf16>, vector<256x256xbf16>, vector<2048x256xf32> -> vector<2048x256xf32>
    %get3A_31 = arith.constant 0 : index
    %get3A_32 = arith.constant 0 : index
    %get3A_33 = vector.load %arg5[%get3A_31, %get3A_32] : memref<1x256xf32, #tpu.memory_space<vmem>>, vector<1x256xf32>
    %add3A = vector.broadcast %get3A_33 : vector<1x256xf32> to vector<2048x256xf32>
    %add3A_34 = arith.addf %dot_general3A_30, %add3A : vector<2048x256xf32>
    %reshape3A_35 = vector.shape_cast %add3A_34 : vector<2048x256xf32> to vector<128x16x256xf32>
    %mul3A = arith.constant 6.250000e-02 : f32
    %mul3A_36 = vector.broadcast %mul3A : f32 to vector<128x16x256xf32>
    %mul3A_37 = arith.mulf %reshape3A_35, %mul3A_36 : vector<128x16x256xf32>
    %exp3A = math.exp %mul3A_37 : vector<128x16x256xf32>
    %reduce_sum3A = arith.constant dense<0.000000e+00> : vector<128x256xf32>
    %reduce_sum3A_38 = vector.multi_reduction <add>, %exp3A, %reduce_sum3A [1] : vector<128x16x256xf32> to vector<128x256xf32>
    %broadcast_in_dim3A_39 = vector.shape_cast %reduce_sum3A_38 : vector<128x256xf32> to vector<128x1x256xf32>
    %div3A = vector.broadcast %broadcast_in_dim3A_39 : vector<128x1x256xf32> to vector<128x16x256xf32>
    %div3A_40 = arith.divf %exp3A, %div3A : vector<128x16x256xf32>
    %mul3A_41 = arith.mulf %div3A_40, %reshape3A_22 : vector<128x16x256xf32>
    %reduce_sum3A_42 = arith.constant dense<0.000000e+00> : vector<128x256xf32>
    %reduce_sum3A_43 = vector.multi_reduction <add>, %mul3A_41, %reduce_sum3A_42 [1] : vector<128x16x256xf32> to vector<128x256xf32>
    %convert_element_type3A_44 = arith.truncf %reduce_sum3A_43 : vector<128x256xf32> to vector<128x256xbf16>
    %get3A_45 = arith.constant 0 : index
    %get3A_46 = arith.constant 0 : index
    %get3A_47 = vector.load %arg6[%get3A_45, %get3A_46] : memref<256x256xbf16, #tpu.memory_space<vmem>>, vector<256x256xbf16>
    %dot_general3A_48 = arith.constant dense<0.000000e+00> : vector<128x256xf32>
    %dot_general3A_49 = tpu.matmul %convert_element_type3A_44, %get3A_47, %dot_general3A_48 {dimension_numbers = #tpu.dot_dimension_numbers<[1], [0], [0], [1], [0, 0, 1, 1], [], []>, transpose_lhs_hint = false} : vector<128x256xbf16>, vector<256x256xbf16>, vector<128x256xf32> -> vector<128x256xf32>
    %get3A_50 = arith.constant 0 : index
    %get3A_51 = arith.constant 0 : index
    %get3A_52 = vector.load %arg7[%get3A_50, %get3A_51] : memref<1x256xf32, #tpu.memory_space<vmem>>, vector<1x256xf32>
    %add3A_53 = vector.broadcast %get3A_52 : vector<1x256xf32> to vector<128x256xf32>
    %add3A_54 = arith.addf %dot_general3A_49, %add3A_53 : vector<128x256xf32>
    %get3A_55 = arith.constant 0 : index
    %get3A_56 = arith.constant 0 : index
    %get3A_57 = vector.load %arg3[%get3A_55, %get3A_56] : memref<128x256xf32, #tpu.memory_space<vmem>>, vector<128x256xf32>
    %add3A_58 = arith.addf %add3A_54, %get3A_57 : vector<128x256xf32>
    %swap3A = arith.constant 0 : index
    %swap3A_59 = arith.constant 0 : index
    %swap3A_60 = vector.load %arg8[%swap3A, %swap3A_59] : memref<128x256xf32, #tpu.memory_space<vmem>>, vector<128x256xf32>
    tpu.vector_store %arg8[%swap3A, %swap3A_59], %add3A_58 {strides = array<i32>} : memref<128x256xf32, #tpu.memory_space<vmem>>, vector<128x256xf32>,
    return
  }
  func.func @transform_0(%arg0: i32) -> (i32, i32) {
    %c0_i32 = arith.constant 0 : i32
    %c0_i32_0 = arith.constant 0 : i32
    return %arg0, %c0_i32 : i32, i32
  }
  func.func @transform_1(%arg0: i32) -> (i32, i32) {
    %c0_i32 = arith.constant 0 : i32
    %c0_i32_0 = arith.constant 0 : i32
    return %arg0, %c0_i32 : i32, i32
  }
  func.func @transform_2(%arg0: i32) -> (i32, i32) {
    %c0_i32 = arith.constant 0 : i32
    %c0_i32_0 = arith.constant 0 : i32
    return %arg0, %c0_i32 : i32, i32
  }
  func.func @transform_3(%arg0: i32) -> (i32, i32) {
    %c0_i32 = arith.constant 0 : i32
    %c0_i32_0 = arith.constant 0 : i32
    %c0_i32_1 = arith.constant 0 : i32
    return %c0_i32, %c0_i32_0 : i32, i32
  }
  func.func @transform_4(%arg0: i32) -> (i32, i32) {
    %c0_i32 = arith.constant 0 : i32
    %c0_i32_0 = arith.constant 0 : i32
    %c0_i32_1 = arith.constant 0 : i32
    return %c0_i32, %c0_i32_0 : i32, i32
  }
  func.func @transform_5(%arg0: i32) -> (i32, i32) {
    %c0_i32 = arith.constant 0 : i32
    %c0_i32_0 = arith.constant 0 : i32
    %c0_i32_1 = arith.constant 0 : i32
    return %c0_i32, %c0_i32_0 : i32, i32
  }
  func.func @transform_6(%arg0: i32) -> (i32, i32) {
    %c0_i32 = arith.constant 0 : i32
    %c0_i32_0 = arith.constant 0 : i32
    %c0_i32_1 = arith.constant 0 : i32
    return %c0_i32, %c0_i32_0 : i32, i32
  }
  func.func @transform_7(%arg0: i32) -> (i32, i32) {
    %c0_i32 = arith.constant 0 : i32
    %c0_i32_0 = arith.constant 0 : i32
    return %arg0, %c0_i32 : i32, i32
  }
}

</mosaic_0001>

<sc_bundles>
// kernel: kernel.12.cloned.1.call-start
scs
__scs_entry_jumppad:
0x0: {  	(pc) =	sbr.rel $0x88, $3  }
0x1: {  	(tag) =	ssettag $0x0;
	lr =	simm.s32 $0x1  }
0x2: {  	[smem:$0x3F95] =	sst lr;
	_ =	strace $0xD0000000  }
0x3: {  	_ = 	snop  }
0x4: {  	_ = 	snop  }
0x5: {  	_ = 	snop  }
0x6: {  	_ = 	snop  }
0x7: {  	_ = 	snop  }
__scs_overlays_trampoline_lowered:
0x8: {  	[smem:$0x3FA4] =	sst s0  }
0x9: {  	[smem:$0x3FA5] =	sst s1  }
0xa: {  	[smem:$0x3FA6] =	sst s2  }
0xb: {  	[smem:$0x3FA7] =	sst s3  }
0xc: {  	[smem:$0x3FA8] =	sst s4  }
0xd: {  	[smem:$0x3FA9] =	sst s5  }
0xe: {  	[smem:$0x3FAA] =	sst s6  }
0xf: {  	[smem:$0x3FAB] =	sst s7  }
0x10: {  	[smem:$0x3FAC] =	sst s8  }
0x11: {  	[smem:$0x3FAD] =	sst s9;
	s0 =	simm.s32 @!p0 $0x0  }
0x12: {  	s1 =	sld [smem:$0x3F93];
	s0 =	simm.s32 @p0 $0x1  }
0x13: {  	[smem:$0x3FAE] =	sst s0;
	s0 =	simm.s32 @!p1 $0x0  }
0x14: {  	s2 =	sld [smem:$0x3F92];
	s0 =	simm.s32 @p1 $0x1  }
0x15: {  	[smem:$0x3FAF] =	sst s0;
	s0 =	simm.s32 @!p2 $0x0  }
0x16: {  	s3 =	sld [smem:$0x3FDB];
	s0 =	simm.s32 @p2 $0x1  }
0x17: {  	s4 =	simm.s32 $0x1BF5;
	[smem:$0x3FB1] =	sst s0  }
0x18: {  	s0 =	sld [smem:$0x3F94];
	_ =	swait.ge [sflag:s4], $0x0  }
0x19: {  	s7 =	sld [smem:$0x3F95]  }
0x1a: {  	s8 =	sadd.s32 $0xFFFFE003, lr  }
0x1b: {  	s9 =	sadd.s32 $0xFFFFFEF7, lr;
	s5 =	simm.s32 $0xFFFFFFFF;
	p2 =	slt.u32 s8, $0xFFFFF086  }
0x1c: {  	p1 =	slt.u32 s9, $0xF7A;
	s5 =	simm.s32 @!p2 $0x0  }
0x1d: {  	s5 =	simm.s32 @p1 $0x1;
	p0 =	seq.s32 s7, s2  }
0x1e: {  	s7 =	smul.u32 @!p0 $0xF7A, s2;
	p2 =	seq.s32 @!p0 s5, $0x0  }
0x1f: {  	s9 =	smul.u32 $0xF7A, s1;
	s8 =	simm.s32 @!p0 $0x1BF5;
	p2 =	por !p2, p0  }
0x20: {  	[sflag:s8] =	ssyncset.s32 @!p0 $0xFFFFF086;
	s6 =	sadd.s32 @!p0 s3, s7;
	s7 =	simm.s32 @!p0 $0x108  }
0x21: {  	s3 =	sadd.s32 s3, s9;
	s6 =	sadd.s32 @!p0 $0x88, s6;
	s7 =	simm.s32 @p2 $0x1082  }
0x22: {  	[simem:s7], [sflag:s8] =	dma.local @!p0 [hbm:s6], $0xF7A  }
0x23: {  	s9 =	sor.u32 $0xD0000000, s2;
	s6 =	simm.s32 $0x108;
	_ =	swait.ge @!p0 [sflag:s8], $0x0  }
0x24: {  	s3 =	sadd.s32 $0x88, s3;
	s6 =	simm.s32 @!p1 $0x1082;
	[sflag:s4] =	ssyncset.s32 $0xFFFFF086  }
0x25: {  	[simem:s6], [sflag:s4] =	dma.local [hbm:s3], $0xF7A  }
0x26: {  	[smem:$0x3F95] =	sst s1;
	(tag) =	ssettag s2;
	_ =	strace s9  }
0x27: {  	s1 =	sld [smem:$0x3FA5]  }
0x28: {  	s2 =	sld [smem:$0x3FA6]  }
0x29: {  	s4 =	sld [smem:$0x3FA8]  }
0x2a: {  	p0 =	seq.s32 s5, $0x0;
	s5 =	sld [smem:$0x3FA9]  }
0x2b: {  	s6 =	sld [smem:$0x3FAA]  }
0x2c: {  	s7 =	sld [smem:$0x3FAB]  }
0x2d: {  	s3 =	simm.s32 $0x108;
	s8 =	sld [smem:$0x3FAC]  }
0x2e: {  	s3 =	simm.s32 @!p0 $0x1082;
	s9 =	sld [smem:$0x3FAD]  }
0x2f: {  	lr =	sadd.s32 s0, s3;
	s0 =	sld [smem:$0x3FA4]  }
0x30: {  	s3 =	sld [smem:$0x3FA7]  }
0x31: {  	[smem:$0x3FB0] =	sst s10  }
0x32: {  	s10 =	sld [smem:$0x3FAE];
	_ =	sdelay $0x3  }
0x33: {  	p0 =	seq.s32 s10, $0x1;
	s10 =	sld [smem:$0x3FB0];
	_ =	sdelay $0x3  }
0x34: {  	[smem:$0x3FB0] =	sst s10  }
0x35: {  	s10 =	sld [smem:$0x3FAF];
	_ =	sdelay $0x3  }
0x36: {  	p1 =	seq.s32 s10, $0x1;
	s10 =	sld [smem:$0x3FB0];
	_ =	sdelay $0x3  }
0x37: {  	[smem:$0x3FB0] =	sst s10  }
0x38: {  	s10 =	sld [smem:$0x3FB1]  }
0x39: {  	_ = 	snop;
	(pc) =	sbr.ind lr, $3  }
0x3a: {  	_ = 	snop  }
0x3b: {  	_ = 	snop  }
0x3c: {  	p2 =	seq.s32 s10, $0x1;
	s10 =	sld [smem:$0x3FB0]  }
0x3d: {  	_ =	shalt  }
0x3e: {  	_ =	shalt  }
0x3f: {  	_ =	shalt  }
0x40: {  	_ =	shalt  }
0x41: {  	_ =	shalt  }
0x42: {  	_ =	shalt  }
0x43: {  	_ =	shalt  }
0x44: {  	_ =	shalt  }
0x45: {  	_ =	shalt  }
0x46: {  	_ =	shalt  }
0x47: {  	_ =	shalt  }
0x48: {  	_ =	shalt  }
0x49: {  	_ =	shalt  }
0x4a: {  	_ =	shalt  }
0x4b: {  	_ =	shalt  }
0x4c: {  	_ =	shalt  }
0x4d: {  	_ =	shalt  }
0x4e: {  	_ =	shalt  }
0x4f: {  	_ =	shalt  }
0x50: {  	_ =	shalt  }
0x51: {  	_ =	shalt  }
0x52: {  	_ =	shalt  }
0x53: {  	_ =	shalt  }
0x54: {  	_ =	shalt  }
0x55: {  	_ =	shalt  }
0x56: {  	_ =	shalt  }
0x57: {  	_ =	shalt  }
0x58: {  	_ =	shalt  }
0x59: {  	_ =	shalt  }
0x5a: {  	_ =	shalt  }
0x5b: {  	_ =	shalt  }
0x5c: {  	_ =	shalt  }
0x5d: {  	_ =	shalt  }
0x5e: {  	_ =	shalt  }
0x5f: {  	_ =	shalt  }
0x60: {  	_ =	shalt  }
0x61: {  	_ =	shalt  }
0x62: {  	_ =	shalt  }
0x63: {  	_ =	shalt  }
0x64: {  	_ =	shalt  }
0x65: {  	_ =	shalt  }
0x66: {  	_ =	shalt  }
0x67: {  	_ =	shalt  }
0x68: {  	_ =	shalt  }
0x69: {  	_ =	shalt  }
0x6a: {  	_ =	shalt  }
0x6b: {  	_ =	shalt  }
0x6c: {  	_ =	shalt  }
0x6d: {  	_ =	shalt  }
0x6e: {  	_ =	shalt  }
0x6f: {  	_ =	shalt  }
0x70: {  	_ =	shalt  }
0x71: {  	_ =	shalt  }
0x72: {  	_ =	shalt  }
0x73: {  	_ =	shalt  }
0x74: {  	_ =	shalt  }
0x75: {  	_ =	shalt  }
0x76: {  	_ =	shalt  }
0x77: {  	_ =	shalt  }
0x78: {  	_ =	shalt  }
0x79: {  	_ =	shalt  }
0x7a: {  	_ =	shalt  }
0x7b: {  	_ =	shalt  }
0x7c: {  	_ =	shalt  }
0x7d: {  	_ =	shalt  }
0x7e: {  	_ =	shalt  }
0x7f: {  	_ =	shalt  }
0x80: {  	_ =	shalt  }
0x81: {  	_ =	shalt  }
0x82: {  	_ =	shalt  }
0x83: {  	_ =	shalt  }
0x84: {  	_ =	shalt  }
0x85: {  	_ =	shalt  }
0x86: {  	_ =	shalt  }
0x87: {  	_ =	shalt  }
.Lfunc_end0:
.L_simem_size_0:
called_computation.1_lowered:
.L_overlay_start_0:
0x88: {  	s2 =	sld [smem:$0x3FD9]  }
0x89: {  	s3 =	sld [smem:$0x3FFE];
	_ =	sdelay $0x1  }
0x8a: {  	s1 =	srdreg.scid  }
0x8b: {  	s0 =	sand.u32 $0x1, s1  }
0x8c: {  	s16 =	sshll.u32 s0, $0xA;
	s2 =	sadd.s32 s3, s2  }
0x8d: {  	s2 =	sadd.s32 s2, s16  }
0x8e: {  	[smem:$0x3FBC] =	sst s2  }
0x8f: {  	_ = 	snop  }
0x90: {  	(tm) =	ssettm $0x1  }
0x91: {  	s17 =	sld [smem:$0x3FFB];
	_ =	sdelay $0x3  }
0x92: {  	_ =	strace s17  }
0x93: {  	s2 =	sld [smem:$0x3FFC];
	_ =	sdelay $0x3  }
0x94: {  	_ =	strace s2  }
0x95: {  	s2 =	sld [smem:$0x3FFD];
	_ =	sdelay $0x3  }
0x96: {  	_ =	strace s2  }
0x97: {  	_ =	strace $0x8FFFFFFF  }
0x98: {  	s18 =	sld [smem:$0x3FDB];
	_ =	sdelay $0x1  }
0x99: {  	s19 =	simm.s32 $_scs_section_size  }
0x9a: {  	s4 =	simm.s32 $_size__tile_overlayer_lowered;
	s5 =	simm.s32 $_tile_overlayer_lowered  }
0x9b: {  	s22 =	simm.s32 $0x1BFF;
	s21 =	sshll.u32 s5, $0x1;
	s2 =	sadd.s32 s19, s18  }
0x9c: {  	s6 =	simm.s32 $0x0;
	s20 =	sshll.u32 s4, $0x1;
	s4 =	sadd.s32 s21, s2  }
0x9d: {  	[timem:s6], [sflag:s22] =	dma.local [hbm:s4], s20  }
0x9e: {  	_ =	swait.ge [sflag:s22], s20  }
0x9f: {  	s3 =	ssub.s32 $0x0, s20;
	[sflag:s22] =	ssyncset.done $0x0  }
0xa0: {  	[sflag:s22] =	ssyncadd.s32 s3;
	_ =	sdelay $0x1  }
0xa1: {  	s23 =	simm.s32 $0x1B8B  }
0xa2: {  	_ =	swait.ge [sflag:s23], $0x1  }
0xa3: {  	[sflag:s23] =	ssyncset.done $0x0  }
0xa4: {  	s25 =	simm.s32 $0x1B8E;
	s24 =	sld [smem:$0x3FFE];
	[sflag:s23] =	ssyncadd.s32 $0xFFFFFFFF  }
0xa5: {  	s26 =	simm.s32 $execute0_lowered;
	[smem:$0x3FD2] =	sst s25  }
0xa6: {  	s4 =	sshll.u32 s26, $0x1;
	_ =	strace $0x80000046;
	[dreg:$0x1] =	wrdreg $0xFFFFFFFF  }
0xa7: {  	s28 =	simm.s32 $_size_execute0_lowered;
	s2 =	sadd.s32 s2, s4;
	[dreg:$0x0] =	wrdreg $0x0  }
0xa8: {  	s4 =	sshll.u32 s28, $0x1;
	[dreg:$0x2] =	wrdreg s2  }
0xa9: {  	[dreg:$0x3] =	wrdreg s4  }
0xaa: {  	[dreg:$0x4] =	wrdreg $0xC0  }
0xab: {  	_ =	task [dreg:s6], $0x5FFFF  }
0xac: {  	[dreg:$0x1] =	wrdreg $0xFFFFFFFF  }
0xad: {  	[dreg:$0x0] =	wrdreg $0x60  }
0xae: {  	[dreg:$0x2] =	wrdreg s24  }
0xaf: {  	[dreg:$0x3] =	wrdreg $0xA  }
0xb0: {  	_ =	task.clear_ibuf [dreg:s6], $0x4FFFF;
	_ =	strace $0x90000046  }
0xb1: {  	s29 =	simm.s32 $0xA;
	_ =	strace $0x80000048  }
0xb2: {  	_ =	swait.ge [sflag:s29], $0x1  }
0xb3: {  	[sflag:s29] =	ssyncadd.s32 $0xFFFFFFFF  }
0xb4: {  	_ =	strace $0x90000048  }
0xb5: {  	_ =	sfence  }
0xb6: {  	s30 =	sld [smem:$0x0];
	_ =	sdelay $0x2  }
0xb7: {  	s31 =	sshll.u32 s1, $0xD;
	s1 =	sshrl.u32 s1, $0x2  }
0xb8: {  	s3 =	sand.u32 $0x4000, s31;
	s1 =	sadd.s32 s1, s30  }
0xb9: {  	s0 =	sor.u32 s3, s0;
	s1 =	sshll.u32 s1, $0x11  }
0xba: {  	s0 =	sor.u32 s1, s0  }
0xbb: {  	s0 =	sadd.s32 $0x8F2B, s0  }
0xbc: {  	[sflag:s0] =	ssyncadd.remote.s32 $0x1  }
0xbd: {  	_ =	sfence.sel $0xFFFF  }
0xbe: {  	[dreg:$0x0] =	wrdreg $0xFFFFFFFF;
	(pc) =	sbr.abs _section_cstart, $3  }
0xbf: {  	[dreg:$0x1] =	wrdreg $0xFFFFFFFF  }
0xc0: {  	_ =	task.clear_ibuf [dreg:s6], $0x2FFFF;
	_ =	strace $0x9FFFFFFF  }
0xc1: {  	(tm) =	ssettm $0x7FFFFFFF  }
tec
execute0_lowered:
.L_overlay_start_1:
0x0: {  	(tag) =	ssettag $0x1  }
0x1: {  	s3 =	rddreg [dreg:$0x0]  }
0x2: {  	s0 =	rddreg [dreg:$0x1]  }
0x3: {  	s4 =	srdreg.scid;
	s2 =	simm.s32 $0x0;
	s1 =	stileid.u32  }
0x4: {  	s10 =	simm.s32 $0x1080;
	s11 =	simm.s32 $0x1880;
	s12 =	simm.s32 $0x2080  }
0x5: {  	s13 =	simm.s32 $0x2880;
	s14 =	simm.s32 $0x3080;
	s15 =	simm.s32 $0x3880  }
0x6: {  	s16 =	simm.s32 $0x1;
	s17 =	simm.s32 $0x0;
	s4 =	sand.u32 $0x1, s4  }
0x7: {  	[smem:$0x7FF] =	sst s2;
	s5 =	sshll.u32 s1, $0xC;
	s30 =	sshll.u32 s1, $0x11  }
0x8: {  	s6 =	sshll.u32 s4, $0xB;
	_ =	strace $0x80000047;
	s7 =	ssub.s32 $0x2, s4  }
0x9: {  	s4 =	sshll.u32 s4, $0x10;
	s5 =	sor.u32 s6, s5;
	s8 =	sshrl.u32 s7, $0x1  }
0xa: {  	s6 =	sadd.s32 s30, s3;
	s5 =	sshrl.u32 s5, $0x3;
	s31 =	ssub.s32 s7, s8  }
0xb: {  	v2 =	vlaneseq.u32;
	s6 =	sadd.s32 s4, s6;
	s7 =	simm.s32 $0x2;
	s8 =	simm.s32 $0x80  }
0xc: {  	vm0 =	vmmov $0xffff;
	v1 =	vshrl.u32 v2, $0x3;
	s9 =	sadd.s32 s5, s3;
	s3 =	sadd.s32 $0x7400, s3;
	s4 =	smax.u32 s31, $0x1  }
0xd: {  	v0 =	vand.u32 $0x7, v2;
	v2 =	vor.u32 $0x8, v2;
	v1 =	vmul.u32 $0x8, v1;
	s5 =	sadd.s32 $0x87400, s6;
	s6 =	sadd.s32 $0x5400, s9;
	s9 =	simm.s32 $0x880  }
.LBB2_1:
0xe: {  	s18 =	smov.u32 s5;
	s19 =	simm.s32 $0x0  }
.LBB2_2:
0xf: {  	s20 =	sadd.s32 s19, s6  }
0x10: {  	[tilespmem:s2], [sflag:$0x2] =	stream.linear.gather [hbm4b:s20+s2], $0x40, $0x38;
	[tilespmem:$0x4080] =	vst v63  }
0x11: {  	_ =	swait.ge [sflag:s7], $0x40  }
0x12: {  	[sflag:s7] =	ssyncset.done $0x0  }
0x13: {  	[sflag:s7] =	ssyncadd.s32 $0xFFFFFFC0  }
0x14: {  	v3 =	vld [tilespmem:$0x0];
	_ =	sdelay $0x4  }
0x15: {  	v4 =	vshll.u32 v3, $0x1  }
0x16: {  	v3 =	vand.u32 $0x7, v3;
	v4 =	vand.u32 $0xFFFFFFF0, v4  }
0x17: {  	v3 =	vor.u32 v3, v4  }
0x18: {  	v4 =	vperm.xlane v3, v0;
	_ =	sdelay $0x1  }
0x19: {  	v3 =	vperm.xlane v3, v2;
	v4 =	vadd.s32 v1, v4;
	_ =	sdelay $0x1  }
0x1a: {  	v3 =	vadd.s32 v1, v3;
	_ =	sdelay $0x2  }
0x1b: {  	[tilespmem:s8], [sflag:$0x1] =	stream.indirect_vreg.gather [hbm4b:s3+s2], $0x80, v4, vm0, $0xb8;
	[tilespmem:$0x4080] =	vst v63  }
0x1c: {  	_ = 	snop  }
0x1d: {  	[tilespmem:s9], [sflag:$0x1] =	stream.indirect_vreg.gather [hbm4b:s3+s2], $0x80, v3, vm0, $0xb8;
	[tilespmem:$0x4080] =	vst v63  }
0x1e: {  	v3 =	vld [tilespmem:$0x10];
	_ =	sdelay $0x4  }
0x1f: {  	v61 =	vshll.u32 v3, $0x1  }
0x20: {  	v3 =	vand.u32 $0x7, v3;
	v4 =	vand.u32 $0xFFFFFFF0, v61  }
0x21: {  	v3 =	vor.u32 v3, v4  }
0x22: {  	v4 =	vperm.xlane v3, v0;
	_ =	sdelay $0x1  }
0x23: {  	v3 =	vperm.xlane v3, v2;
	v4 =	vadd.s32 v1, v4;
	_ =	sdelay $0x1  }
0x24: {  	v3 =	vadd.s32 v1, v3;
	_ =	sdelay $0x2  }
0x25: {  	[tilespmem:s10], [sflag:$0x1] =	stream.indirect_vreg.gather [hbm4b:s3+s2], $0x80, v4, vm0, $0xb8;
	[tilespmem:$0x4080] =	vst v63  }
0x26: {  	_ = 	snop  }
0x27: {  	[tilespmem:s11], [sflag:$0x1] =	stream.indirect_vreg.gather [hbm4b:s3+s2], $0x80, v3, vm0, $0xb8;
	[tilespmem:$0x4080] =	vst v63  }
0x28: {  	v3 =	vld [tilespmem:$0x20];
	_ =	sdelay $0x4  }
0x29: {  	v62 =	vshll.u32 v3, $0x1  }
0x2a: {  	v3 =	vand.u32 $0x7, v3;
	v4 =	vand.u32 $0xFFFFFFF0, v62  }
0x2b: {  	v3 =	vor.u32 v3, v4  }
0x2c: {  	v4 =	vperm.xlane v3, v0;
	_ =	sdelay $0x1  }
0x2d: {  	v3 =	vperm.xlane v3, v2;
	v4 =	vadd.s32 v1, v4;
	_ =	sdelay $0x1  }
0x2e: {  	v3 =	vadd.s32 v1, v3;
	_ =	sdelay $0x2  }
0x2f: {  	[tilespmem:s12], [sflag:$0x1] =	stream.indirect_vreg.gather [hbm4b:s3+s2], $0x80, v4, vm0, $0xb8;
	[tilespmem:$0x4080] =	vst v63  }
0x30: {  	_ = 	snop  }
0x31: {  	[tilespmem:s13], [sflag:$0x1] =	stream.indirect_vreg.gather [hbm4b:s3+s2], $0x80, v3, vm0, $0xb8;
	[tilespmem:$0x4080] =	vst v63  }
0x32: {  	v3 =	vld [tilespmem:$0x30];
	_ =	sdelay $0x4  }
0x33: {  	v63 =	vshll.u32 v3, $0x1  }
0x34: {  	v3 =	vand.u32 $0x7, v3;
	v4 =	vand.u32 $0xFFFFFFF0, v63  }
0x35: {  	v3 =	vor.u32 v3, v4  }
0x36: {  	v4 =	vperm.xlane v3, v0;
	_ =	sdelay $0x1  }
0x37: {  	v3 =	vperm.xlane v3, v2;
	v4 =	vadd.s32 v1, v4;
	_ =	sdelay $0x1  }
0x38: {  	v3 =	vadd.s32 v1, v3;
	_ =	sdelay $0x2  }
0x39: {  	[tilespmem:s14], [sflag:$0x1] =	stream.indirect_vreg.gather [hbm4b:s3+s2], $0x80, v4, vm0, $0xb8;
	[tilespmem:$0x4080] =	vst v63  }
0x3a: {  	_ = 	snop  }
0x3b: {  	[tilespmem:s15], [sflag:$0x1] =	stream.indirect_vreg.gather [hbm4b:s3+s2], $0x80, v3, vm0, $0xb8;
	[tilespmem:$0x4080] =	vst v63  }
0x3c: {  	_ =	swait.ge [sflag:s16], $0x4000  }
0x3d: {  	p0 =	sne.s32 s19, $0xF8;
	[sflag:s16] =	ssyncset.done $0x0  }
.Ltmp0:
0x3e: {  	[sflag:s16] =	ssyncadd.s32 $0xFFFFC000;
	(pc) =	sbr.rel @p0 .LBB2_2-.Ltmp0, $4  }
0x3f: {  	[hbm4b:s18+s2] =	stream.linear.scatter [tilespmem:s8], [sflag:$0x2], $0x4000, $0x38;
	[tilespmem:$0x4080] =	vst v63  }
0x40: {  	_ =	swait.ge [sflag:s7], $0x4000  }
0x41: {  	[sflag:s7] =	ssyncset.done $0x0  }
0x42: {  	s19 =	sadd.s32 $0x8, s19;
	s18 =	sadd.s32 $0x800, s18;
	[sflag:s7] =	ssyncadd.s32 $0xFFFFC000  }
0x43: {  	s17 =	sadd.s32 $0x1, s17  }
0x44: {  	p0 =	sne.s32 s17, s4  }
.Ltmp1:
0x45: {  	_ = 	snop;
	(pc) =	sbr.rel @p0 .LBB2_1-.Ltmp1, $1  }
0x46: {  	_ =	sdelay $0x3  }
0x47: {  	_ =	sfence.sel $0x180000  }
0x48: {  	[bflag:$0x0] =	sbarrier.arrive $0xFFFF  }
0x49: {  	p0 =	sne.s32 s1, $0x0;
	_ =	strace $0x90000047  }
0x4a: {  	s0 =	sadd.s32 @!p0 $0x100000, s0;
	[bflag:$0x2] =	sbarrier.arrive $0xFFFF  }
0x4b: {  	[sflag:s0] =	ssyncadd.tile.s32 @!p0 $0x1;
	_ =	shalt  }
.Lfunc_end2:
_tile_overlayer_lowered:
.L_overlay_start_2:
0x4c: {  	(tag) =	ssettag $0x2  }
0x4d: {  	s0 =	rddreg [dreg:$0x0];
	s2 =	stileid.u32  }
0x4e: {  	s1 =	rddreg [dreg:$0x1];
	p0 =	sne.s32 s2, $0x0  }
0x4f: {  	s3 =	rddreg [dreg:$0x2];
	[bflag:$0x3] =	sbarrier.arrive $0xFFFF;
	s2 =	simm.s32 @!p0 $0x1C02  }
0x50: {  	[timem:s3], [sflag:s2] =	dma.local @!p0 [hbm:s0], s1  }
0x51: {  	s0 =	simm.s32 @!p0 $0x2  }
0x52: {  	_ =	swait.ge @!p0 [sflag:s0], s1  }
0x53: {  	s1 =	ssub.s32 @!p0 $0x0, s1;
	[sflag:s0] =	ssyncset.done @!p0 $0x0  }
0x54: {  	[sflag:s0] =	ssyncadd.s32 @!p0 s1  }
0x55: {  	[bflag:$0x3] =	sbarrier.arrive $0xFFFF  }
0x56: {  	_ =	shalt  }

// kernel: kernel.9.cloned.1.call-start
scs
__scs_entry_jumppad:
0x0: {  	(pc) =	sbr.rel $0x88, $3  }
0x1: {  	(tag) =	ssettag $0x0;
	lr =	simm.s32 $0x1  }
0x2: {  	[smem:$0x3F95] =	sst lr;
	_ =	strace $0xD0000000  }
0x3: {  	_ = 	snop  }
0x4: {  	_ = 	snop  }
0x5: {  	_ = 	snop  }
0x6: {  	_ = 	snop  }
0x7: {  	_ = 	snop  }
__scs_overlays_trampoline_lowered:
0x8: {  	[smem:$0x3FA4] =	sst s0  }
0x9: {  	[smem:$0x3FA5] =	sst s1  }
0xa: {  	[smem:$0x3FA6] =	sst s2  }
0xb: {  	[smem:$0x3FA7] =	sst s3  }
0xc: {  	[smem:$0x3FA8] =	sst s4  }
0xd: {  	[smem:$0x3FA9] =	sst s5  }
0xe: {  	[smem:$0x3FAA] =	sst s6  }
0xf: {  	[smem:$0x3FAB] =	sst s7  }
0x10: {  	[smem:$0x3FAC] =	sst s8  }
0x11: {  	[smem:$0x3FAD] =	sst s9;
	s0 =	simm.s32 @!p0 $0x0  }
0x12: {  	s1 =	sld [smem:$0x3F93];
	s0 =	simm.s32 @p0 $0x1  }
0x13: {  	[smem:$0x3FAE] =	sst s0;
	s0 =	simm.s32 @!p1 $0x0  }
0x14: {  	s2 =	sld [smem:$0x3F92];
	s0 =	simm.s32 @p1 $0x1  }
0x15: {  	[smem:$0x3FAF] =	sst s0;
	s0 =	simm.s32 @!p2 $0x0  }
0x16: {  	s3 =	sld [smem:$0x3FDB];
	s0 =	simm.s32 @p2 $0x1  }
0x17: {  	s4 =	simm.s32 $0x1BF5;
	[smem:$0x3FB1] =	sst s0  }
0x18: {  	s0 =	sld [smem:$0x3F94];
	_ =	swait.ge [sflag:s4], $0x0  }
0x19: {  	s7 =	sld [smem:$0x3F95]  }
0x1a: {  	s8 =	sadd.s32 $0xFFFFE003, lr  }
0x1b: {  	s9 =	sadd.s32 $0xFFFFFEF7, lr;
	s5 =	simm.s32 $0xFFFFFFFF;
	p2 =	slt.u32 s8, $0xFFFFF086  }
0x1c: {  	p1 =	slt.u32 s9, $0xF7A;
	s5 =	simm.s32 @!p2 $0x0  }
0x1d: {  	s5 =	simm.s32 @p1 $0x1;
	p0 =	seq.s32 s7, s2  }
0x1e: {  	s7 =	smul.u32 @!p0 $0xF7A, s2;
	p2 =	seq.s32 @!p0 s5, $0x0  }
0x1f: {  	s9 =	smul.u32 $0xF7A, s1;
	s8 =	simm.s32 @!p0 $0x1BF5;
	p2 =	por !p2, p0  }
0x20: {  	[sflag:s8] =	ssyncset.s32 @!p0 $0xFFFFF086;
	s6 =	sadd.s32 @!p0 s3, s7;
	s7 =	simm.s32 @!p0 $0x108  }
0x21: {  	s3 =	sadd.s32 s3, s9;
	s6 =	sadd.s32 @!p0 $0x88, s6;
	s7 =	simm.s32 @p2 $0x1082  }
0x22: {  	[simem:s7], [sflag:s8] =	dma.local @!p0 [hbm:s6], $0xF7A  }
0x23: {  	s9 =	sor.u32 $0xD0000000, s2;
	s6 =	simm.s32 $0x108;
	_ =	swait.ge @!p0 [sflag:s8], $0x0  }
0x24: {  	s3 =	sadd.s32 $0x88, s3;
	s6 =	simm.s32 @!p1 $0x1082;
	[sflag:s4] =	ssyncset.s32 $0xFFFFF086  }
0x25: {  	[simem:s6], [sflag:s4] =	dma.local [hbm:s3], $0xF7A  }
0x26: {  	[smem:$0x3F95] =	sst s1;
	(tag) =	ssettag s2;
	_ =	strace s9  }
0x27: {  	s1 =	sld [smem:$0x3FA5]  }
0x28: {  	s2 =	sld [smem:$0x3FA6]  }
0x29: {  	s4 =	sld [smem:$0x3FA8]  }
0x2a: {  	p0 =	seq.s32 s5, $0x0;
	s5 =	sld [smem:$0x3FA9]  }
0x2b: {  	s6 =	sld [smem:$0x3FAA]  }
0x2c: {  	s7 =	sld [smem:$0x3FAB]  }
0x2d: {  	s3 =	simm.s32 $0x108;
	s8 =	sld [smem:$0x3FAC]  }
0x2e: {  	s3 =	simm.s32 @!p0 $0x1082;
	s9 =	sld [smem:$0x3FAD]  }
0x2f: {  	lr =	sadd.s32 s0, s3;
	s0 =	sld [smem:$0x3FA4]  }
0x30: {  	s3 =	sld [smem:$0x3FA7]  }
0x31: {  	[smem:$0x3FB0] =	sst s10  }
0x32: {  	s10 =	sld [smem:$0x3FAE];
	_ =	sdelay $0x3  }
0x33: {  	p0 =	seq.s32 s10, $0x1;
	s10 =	sld [smem:$0x3FB0];
	_ =	sdelay $0x3  }
0x34: {  	[smem:$0x3FB0] =	sst s10  }
0x35: {  	s10 =	sld [smem:$0x3FAF];
	_ =	sdelay $0x3  }
0x36: {  	p1 =	seq.s32 s10, $0x1;
	s10 =	sld [smem:$0x3FB0];
	_ =	sdelay $0x3  }
0x37: {  	[smem:$0x3FB0] =	sst s10  }
0x38: {  	s10 =	sld [smem:$0x3FB1]  }
0x39: {  	_ = 	snop;
	(pc) =	sbr.ind lr, $3  }
0x3a: {  	_ = 	snop  }
0x3b: {  	_ = 	snop  }
0x3c: {  	p2 =	seq.s32 s10, $0x1;
	s10 =	sld [smem:$0x3FB0]  }
0x3d: {  	_ =	shalt  }
0x3e: {  	_ =	shalt  }
0x3f: {  	_ =	shalt  }
0x40: {  	_ =	shalt  }
0x41: {  	_ =	shalt  }
0x42: {  	_ =	shalt  }
0x43: {  	_ =	shalt  }
0x44: {  	_ =	shalt  }
0x45: {  	_ =	shalt  }
0x46: {  	_ =	shalt  }
0x47: {  	_ =	shalt  }
0x48: {  	_ =	shalt  }
0x49: {  	_ =	shalt  }
0x4a: {  	_ =	shalt  }
0x4b: {  	_ =	shalt  }
0x4c: {  	_ =	shalt  }
0x4d: {  	_ =	shalt  }
0x4e: {  	_ =	shalt  }
0x4f: {  	_ =	shalt  }
0x50: {  	_ =	shalt  }
0x51: {  	_ =	shalt  }
0x52: {  	_ =	shalt  }
0x53: {  	_ =	shalt  }
0x54: {  	_ =	shalt  }
0x55: {  	_ =	shalt  }
0x56: {  	_ =	shalt  }
0x57: {  	_ =	shalt  }
0x58: {  	_ =	shalt  }
0x59: {  	_ =	shalt  }
0x5a: {  	_ =	shalt  }
0x5b: {  	_ =	shalt  }
0x5c: {  	_ =	shalt  }
0x5d: {  	_ =	shalt  }
0x5e: {  	_ =	shalt  }
0x5f: {  	_ =	shalt  }
0x60: {  	_ =	shalt  }
0x61: {  	_ =	shalt  }
0x62: {  	_ =	shalt  }
0x63: {  	_ =	shalt  }
0x64: {  	_ =	shalt  }
0x65: {  	_ =	shalt  }
0x66: {  	_ =	shalt  }
0x67: {  	_ =	shalt  }
0x68: {  	_ =	shalt  }
0x69: {  	_ =	shalt  }
0x6a: {  	_ =	shalt  }
0x6b: {  	_ =	shalt  }
0x6c: {  	_ =	shalt  }
0x6d: {  	_ =	shalt  }
0x6e: {  	_ =	shalt  }
0x6f: {  	_ =	shalt  }
0x70: {  	_ =	shalt  }
0x71: {  	_ =	shalt  }
0x72: {  	_ =	shalt  }
0x73: {  	_ =	shalt  }
0x74: {  	_ =	shalt  }
0x75: {  	_ =	shalt  }
0x76: {  	_ =	shalt  }
0x77: {  	_ =	shalt  }
0x78: {  	_ =	shalt  }
0x79: {  	_ =	shalt  }
0x7a: {  	_ =	shalt  }
0x7b: {  	_ =	shalt  }
0x7c: {  	_ =	shalt  }
0x7d: {  	_ =	shalt  }
0x7e: {  	_ =	shalt  }
0x7f: {  	_ =	shalt  }
0x80: {  	_ =	shalt  }
0x81: {  	_ =	shalt  }
0x82: {  	_ =	shalt  }
0x83: {  	_ =	shalt  }
0x84: {  	_ =	shalt  }
0x85: {  	_ =	shalt  }
0x86: {  	_ =	shalt  }
0x87: {  	_ =	shalt  }
.Lfunc_end0:
.L_simem_size_0:
called_computation_lowered:
.L_overlay_start_0:
0x88: {  	s2 =	sld [smem:$0x3FD9]  }
0x89: {  	s3 =	sld [smem:$0x3FFE];
	_ =	sdelay $0x1  }
0x8a: {  	s1 =	srdreg.scid  }
0x8b: {  	s0 =	sand.u32 $0x1, s1  }
0x8c: {  	s17 =	sshll.u32 s0, $0xA;
	s2 =	sadd.s32 s3, s2  }
0x8d: {  	s2 =	sadd.s32 s2, s17  }
0x8e: {  	[smem:$0x3FBC] =	sst s2  }
0x8f: {  	_ = 	snop  }
0x90: {  	(tm) =	ssettm $0x1  }
0x91: {  	s18 =	sld [smem:$0x3FFB];
	_ =	sdelay $0x3  }
0x92: {  	_ =	strace s18  }
0x93: {  	s2 =	sld [smem:$0x3FFC];
	_ =	sdelay $0x3  }
0x94: {  	_ =	strace s2  }
0x95: {  	s2 =	sld [smem:$0x3FFD];
	_ =	sdelay $0x3  }
0x96: {  	_ =	strace s2  }
0x97: {  	_ =	strace $0x8FFFFFFF  }
0x98: {  	s19 =	sld [smem:$0x3FDB];
	_ =	sdelay $0x1  }
0x99: {  	s20 =	simm.s32 $_scs_section_size  }
0x9a: {  	s4 =	simm.s32 $_size__tile_overlayer_lowered;
	s5 =	simm.s32 $_tile_overlayer_lowered  }
0x9b: {  	s6 =	simm.s32 $0x1BFF;
	s21 =	sshll.u32 s5, $0x1;
	s3 =	sadd.s32 s20, s19  }
0x9c: {  	s22 =	simm.s32 $0x0;
	s4 =	sshll.u32 s4, $0x1;
	s5 =	sadd.s32 s21, s3  }
0x9d: {  	[timem:s22], [sflag:s6] =	dma.local [hbm:s5], s4  }
0x9e: {  	_ =	swait.ge [sflag:s6], s4  }
0x9f: {  	s4 =	ssub.s32 $0x0, s4;
	[sflag:s6] =	ssyncset.done $0x0  }
0xa0: {  	[sflag:s6] =	ssyncadd.s32 s4;
	_ =	sdelay $0x1  }
0xa1: {  	s23 =	simm.s32 $0x1B8B  }
0xa2: {  	_ =	swait.ge [sflag:s23], $0x1  }
0xa3: {  	[sflag:s23] =	ssyncset.done $0x0  }
0xa4: {  	[sflag:s23] =	ssyncadd.s32 $0xFFFFFFFF  }
0xa5: {  	s4 =	sld [smem:$0x0]  }
0xa6: {  	s5 =	sand.u32 $0xFFFFFFFE, s1  }
0xa7: {  	p0 =	sne.s32 s1, s5  }
0xa8: {  	s5 =	sshll.u32 @p0 s5, $0xE  }
0xa9: {  	s5 =	sadd.s32 @p0 $0x11B8D, s5;
	s6 =	sshll.u32 @p0 s4, $0x11  }
0xaa: {  	s5 =	sor.u32 @p0 s6, s5  }
0xab: {  	[sflag:s5] =	ssyncadd.remote.s32 @p0 $0x1;
	_ =	sdelay $0x1  }
0xac: {  	s5 =	simm.s32 @p0 $0x1B8D  }
0xad: {  	_ =	swait.eq @p0 [sflag:s5], $0x1  }
0xae: {  	[sflag:s5] =	ssyncadd.s32 @p0 $0xFFFFFFFF  }
0xaf: {  	s6 =	sshll.u32 @!p0 s1, $0xE  }
0xb0: {  	s6 =	sor.u32 @!p0 $0x4000, s6;
	s5 =	simm.s32 @!p0 $0x1B8D  }
0xb1: {  	s4 =	sshll.u32 @!p0 s4, $0x11;
	s6 =	sadd.s32 @!p0 $0x11B8D, s6;
	_ =	swait.eq @!p0 [sflag:s5], $0x1  }
0xb2: {  	s4 =	sor.u32 @!p0 s4, s6;
	[sflag:s5] =	ssyncadd.s32 @!p0 $0xFFFFFFFF  }
0xb3: {  	s25 =	simm.s32 $0x1B8E;
	s24 =	sld [smem:$0x3FFE];
	[sflag:s4] =	ssyncadd.remote.s32 @!p0 $0x1  }
0xb4: {  	s26 =	simm.s32 $execute0_lowered;
	[smem:$0x3FD2] =	sst s25  }
0xb5: {  	s5 =	sshll.u32 s26, $0x1;
	_ =	strace $0x80000049;
	[dreg:$0x1] =	wrdreg $0xFFFFFFFF  }
0xb6: {  	s28 =	simm.s32 $_size_execute0_lowered;
	s3 =	sadd.s32 s3, s5;
	[dreg:$0x0] =	wrdreg $0x0  }
0xb7: {  	s5 =	sshll.u32 s28, $0x1;
	[dreg:$0x2] =	wrdreg s3  }
0xb8: {  	[dreg:$0x3] =	wrdreg s5  }
0xb9: {  	[dreg:$0x4] =	wrdreg $0xC0  }
0xba: {  	_ =	task [dreg:s22], $0x5FFFF  }
0xbb: {  	[dreg:$0x1] =	wrdreg $0xFFFFFFFF  }
0xbc: {  	[dreg:$0x0] =	wrdreg $0x60  }
0xbd: {  	[dreg:$0x2] =	wrdreg s24  }
0xbe: {  	[dreg:$0x3] =	wrdreg $0x9  }
0xbf: {  	_ =	task.clear_ibuf [dreg:s22], $0x4FFFF;
	_ =	strace $0x90000049  }
0xc0: {  	s29 =	simm.s32 $0x9;
	_ =	strace $0x8000004B  }
0xc1: {  	_ =	swait.ge [sflag:s29], $0x1  }
0xc2: {  	[sflag:s29] =	ssyncadd.s32 $0xFFFFFFFF  }
0xc3: {  	_ =	strace $0x9000004B  }
0xc4: {  	_ =	sfence  }
0xc5: {  	s30 =	sld [smem:$0x0];
	_ =	sdelay $0x2  }
0xc6: {  	s31 =	sshll.u32 s1, $0xD;
	s1 =	sshrl.u32 s1, $0x2  }
0xc7: {  	s4 =	sand.u32 $0x4000, s31;
	s1 =	sadd.s32 s1, s30  }
0xc8: {  	s0 =	sor.u32 s4, s0;
	s1 =	sshll.u32 s1, $0x11  }
0xc9: {  	s0 =	sor.u32 s1, s0  }
0xca: {  	s0 =	sadd.s32 $0x8F2B, s0  }
0xcb: {  	[sflag:s0] =	ssyncadd.remote.s32 $0x1  }
0xcc: {  	_ =	sfence.sel $0xFFFF  }
0xcd: {  	[dreg:$0x0] =	wrdreg $0xFFFFFFFF;
	(pc) =	sbr.abs _section_cstart, $3  }
0xce: {  	[dreg:$0x1] =	wrdreg $0xFFFFFFFF  }
0xcf: {  	_ =	task.clear_ibuf [dreg:s22], $0x2FFFF;
	_ =	strace $0x9FFFFFFF  }
0xd0: {  	(tm) =	ssettm $0x7FFFFFFF  }
0xd1: {  	_ =	shalt  }
tec
execute0_lowered:
.L_overlay_start_1:
0x0: {  	(tag) =	ssettag $0x1  }
0x1: {  	s3 =	rddreg [dreg:$0x0]  }
0x2: {  	s0 =	rddreg [dreg:$0x1]  }
0x3: {  	s4 =	srdreg.scid;
	s2 =	simm.s32 $0x0;
	s1 =	stileid.u32  }
0x4: {  	s10 =	simm.s32 $0x1080;
	s11 =	simm.s32 $0x1880;
	s12 =	simm.s32 $0x2080  }
0x5: {  	s13 =	simm.s32 $0x2880;
	s14 =	simm.s32 $0x3080;
	s15 =	simm.s32 $0x3880  }
0x6: {  	s16 =	simm.s32 $0x1;
	s17 =	simm.s32 $0x0;
	s4 =	sand.u32 $0x1, s4  }
0x7: {  	[smem:$0x7FF] =	sst s2;
	s5 =	sshll.u32 s1, $0xC;
	s30 =	sshll.u32 s1, $0x11  }
0x8: {  	s6 =	sshll.u32 s4, $0xB;
	_ =	strace $0x8000004A;
	s7 =	ssub.s32 $0x2, s4  }
0x9: {  	s4 =	sshll.u32 s4, $0x10;
	s5 =	sor.u32 s6, s5;
	s8 =	sshrl.u32 s7, $0x1  }
0xa: {  	s6 =	sadd.s32 s30, s3;
	s5 =	sshrl.u32 s5, $0x3;
	s31 =	ssub.s32 s7, s8  }
0xb: {  	v2 =	vlaneseq.u32;
	s6 =	sadd.s32 s4, s6;
	s7 =	simm.s32 $0x2;
	s8 =	simm.s32 $0x80  }
0xc: {  	vm0 =	vmmov $0xffff;
	v1 =	vshrl.u32 v2, $0x3;
	s9 =	sadd.s32 s5, s3;
	s3 =	sadd.s32 $0x7400, s3;
	s5 =	sadd.s32 $0x289400, s6  }
0xd: {  	v0 =	vand.u32 $0x7, v2;
	v2 =	vor.u32 $0x8, v2;
	v1 =	vmul.u32 $0x8, v1;
	s4 =	smax.u32 s31, $0x1;
	s6 =	sadd.s32 $0x287400, s9;
	s9 =	simm.s32 $0x880  }
.LBB2_1:
0xe: {  	s18 =	smov.u32 s5;
	s19 =	simm.s32 $0x0  }
.LBB2_2:
0xf: {  	s20 =	sadd.s32 s19, s6  }
0x10: {  	[tilespmem:s2], [sflag:$0x2] =	stream.linear.gather [hbm4b:s20+s2], $0x40, $0x38;
	[tilespmem:$0x4080] =	vst v63  }
0x11: {  	_ =	swait.ge [sflag:s7], $0x40  }
0x12: {  	[sflag:s7] =	ssyncset.done $0x0  }
0x13: {  	[sflag:s7] =	ssyncadd.s32 $0xFFFFFFC0  }
0x14: {  	v3 =	vld [tilespmem:$0x0];
	_ =	sdelay $0x4  }
0x15: {  	v4 =	vshll.u32 v3, $0x1  }
0x16: {  	v3 =	vand.u32 $0x7, v3;
	v4 =	vand.u32 $0xFFFFFFF0, v4  }
0x17: {  	v3 =	vor.u32 v3, v4  }
0x18: {  	v4 =	vperm.xlane v3, v0;
	_ =	sdelay $0x1  }
0x19: {  	v3 =	vperm.xlane v3, v2;
	v4 =	vadd.s32 v1, v4;
	_ =	sdelay $0x1  }
0x1a: {  	v3 =	vadd.s32 v1, v3;
	_ =	sdelay $0x2  }
0x1b: {  	[tilespmem:s8], [sflag:$0x1] =	stream.indirect_vreg.gather [hbm4b:s3+s2], $0x80, v4, vm0, $0xb8;
	[tilespmem:$0x4080] =	vst v63  }
0x1c: {  	_ = 	snop  }
0x1d: {  	[tilespmem:s9], [sflag:$0x1] =	stream.indirect_vreg.gather [hbm4b:s3+s2], $0x80, v3, vm0, $0xb8;
	[tilespmem:$0x4080] =	vst v63  }
0x1e: {  	v3 =	vld [tilespmem:$0x10];
	_ =	sdelay $0x4  }
0x1f: {  	v61 =	vshll.u32 v3, $0x1  }
0x20: {  	v3 =	vand.u32 $0x7, v3;
	v4 =	vand.u32 $0xFFFFFFF0, v61  }
0x21: {  	v3 =	vor.u32 v3, v4  }
0x22: {  	v4 =	vperm.xlane v3, v0;
	_ =	sdelay $0x1  }
0x23: {  	v3 =	vperm.xlane v3, v2;
	v4 =	vadd.s32 v1, v4;
	_ =	sdelay $0x1  }
0x24: {  	v3 =	vadd.s32 v1, v3;
	_ =	sdelay $0x2  }
0x25: {  	[tilespmem:s10], [sflag:$0x1] =	stream.indirect_vreg.gather [hbm4b:s3+s2], $0x80, v4, vm0, $0xb8;
	[tilespmem:$0x4080] =	vst v63  }
0x26: {  	_ = 	snop  }
0x27: {  	[tilespmem:s11], [sflag:$0x1] =	stream.indirect_vreg.gather [hbm4b:s3+s2], $0x80, v3, vm0, $0xb8;
	[tilespmem:$0x4080] =	vst v63  }
0x28: {  	v3 =	vld [tilespmem:$0x20];
	_ =	sdelay $0x4  }
0x29: {  	v62 =	vshll.u32 v3, $0x1  }
0x2a: {  	v3 =	vand.u32 $0x7, v3;
	v4 =	vand.u32 $0xFFFFFFF0, v62  }
0x2b: {  	v3 =	vor.u32 v3, v4  }
0x2c: {  	v4 =	vperm.xlane v3, v0;
	_ =	sdelay $0x1  }
0x2d: {  	v3 =	vperm.xlane v3, v2;
	v4 =	vadd.s32 v1, v4;
	_ =	sdelay $0x1  }
0x2e: {  	v3 =	vadd.s32 v1, v3;
	_ =	sdelay $0x2  }
0x2f: {  	[tilespmem:s12], [sflag:$0x1] =	stream.indirect_vreg.gather [hbm4b:s3+s2], $0x80, v4, vm0, $0xb8;
	[tilespmem:$0x4080] =	vst v63  }
0x30: {  	_ = 	snop  }
0x31: {  	[tilespmem:s13], [sflag:$0x1] =	stream.indirect_vreg.gather [hbm4b:s3+s2], $0x80, v3, vm0, $0xb8;
	[tilespmem:$0x4080] =	vst v63  }
0x32: {  	v3 =	vld [tilespmem:$0x30];
	_ =	sdelay $0x4  }
0x33: {  	v63 =	vshll.u32 v3, $0x1  }
0x34: {  	v3 =	vand.u32 $0x7, v3;
	v4 =	vand.u32 $0xFFFFFFF0, v63  }
0x35: {  	v3 =	vor.u32 v3, v4  }
0x36: {  	v4 =	vperm.xlane v3, v0;
	_ =	sdelay $0x1  }
0x37: {  	v3 =	vperm.xlane v3, v2;
	v4 =	vadd.s32 v1, v4;
	_ =	sdelay $0x1  }
0x38: {  	v3 =	vadd.s32 v1, v3;
	_ =	sdelay $0x2  }
0x39: {  	[tilespmem:s14], [sflag:$0x1] =	stream.indirect_vreg.gather [hbm4b:s3+s2], $0x80, v4, vm0, $0xb8;
	[tilespmem:$0x4080] =	vst v63  }
0x3a: {  	_ = 	snop  }
0x3b: {  	[tilespmem:s15], [sflag:$0x1] =	stream.indirect_vreg.gather [hbm4b:s3+s2], $0x80, v3, vm0, $0xb8;
	[tilespmem:$0x4080] =	vst v63  }
0x3c: {  	_ =	swait.ge [sflag:s16], $0x4000  }
0x3d: {  	p0 =	sne.s32 s19, $0xF8;
	[sflag:s16] =	ssyncset.done $0x0  }
.Ltmp0:
0x3e: {  	[sflag:s16] =	ssyncadd.s32 $0xFFFFC000;
	(pc) =	sbr.rel @p0 .LBB2_2-.Ltmp0, $4  }
0x3f: {  	[hbm4b:s18+s2] =	stream.linear.scatter [tilespmem:s8], [sflag:$0x2], $0x4000, $0x38;
	[tilespmem:$0x4080] =	vst v63  }
0x40: {  	_ =	swait.ge [sflag:s7], $0x4000  }
0x41: {  	[sflag:s7] =	ssyncset.done $0x0  }
0x42: {  	s19 =	sadd.s32 $0x8, s19;
	s18 =	sadd.s32 $0x800, s18;
	[sflag:s7] =	ssyncadd.s32 $0xFFFFC000  }
0x43: {  	s17 =	sadd.s32 $0x1, s17  }
0x44: {  	p0 =	sne.s32 s17, s4  }
.Ltmp1:
0x45: {  	_ = 	snop;
	(pc) =	sbr.rel @p0 .LBB2_1-.Ltmp1, $1  }
0x46: {  	_ =	sdelay $0x3  }
0x47: {  	_ =	sfence.sel $0x180000  }
0x48: {  	[bflag:$0x0] =	sbarrier.arrive $0xFFFF  }
0x49: {  	p0 =	sne.s32 s1, $0x0;
	_ =	strace $0x9000004A  }
0x4a: {  	s0 =	sadd.s32 @!p0 $0x100000, s0;
	[bflag:$0x2] =	sbarrier.arrive $0xFFFF  }
0x4b: {  	[sflag:s0] =	ssyncadd.tile.s32 @!p0 $0x1;
	_ =	shalt  }
.Lfunc_end2:
_tile_overlayer_lowered:
.L_overlay_start_2:
0x4c: {  	(tag) =	ssettag $0x2  }
0x4d: {  	s0 =	rddreg [dreg:$0x0];
	s2 =	stileid.u32  }
0x4e: {  	s1 =	rddreg [dreg:$0x1];
	p0 =	sne.s32 s2, $0x0  }
0x4f: {  	s3 =	rddreg [dreg:$0x2];
	[bflag:$0x3] =	sbarrier.arrive $0xFFFF;
	s2 =	simm.s32 @!p0 $0x1C02  }
0x50: {  	[timem:s3], [sflag:s2] =	dma.local @!p0 [hbm:s0], s1  }
0x51: {  	s0 =	simm.s32 @!p0 $0x2  }
0x52: {  	_ =	swait.ge @!p0 [sflag:s0], s1  }
0x53: {  	s1 =	ssub.s32 @!p0 $0x0, s1;
	[sflag:s0] =	ssyncset.done @!p0 $0x0  }
0x54: {  	[sflag:s0] =	ssyncadd.s32 @!p0 s1  }
0x55: {  	[bflag:$0x3] =	sbarrier.arrive $0xFFFF  }
0x56: {  	_ =	shalt  }

</sc_bundles>
